<compile_context>
chip_gen: v7x
topology: tpu7x:2x2x1
jax: 0.10.2.dev20260603
libtpu: 0.0.44.dev20260713+nightly
codegen_flags: <defaults>
</compile_context>

<pallas_src>
import jax
import jax.numpy as jnp
from jax import lax
from jax.experimental import pallas as pl
from jax.experimental.pallas import tpu as pltpu
from jax.experimental.pallas import tpu_sc as plsc

_N_BINS = 256
_N_ELEM = 2 * 3 * 224 * 224
_NC = 2
_NS = 16
_NW = _NC * _NS
_ROWS = 1344
_W = 224
_RPT = 42
_WIN = 56
_COLS = _N_BINS
_HWORDS = 16 * _COLS + 16
_SCALE = 1.0 / (float(_N_ELEM) ** 2 * float(_N_BINS))


def _sc_body(x_hbm, y_hbm, outx_hbm, outy_hbm, bufx, bufy, hx, hy,
             semx, semy):
    wid = lax.axis_index("s") * _NC + lax.axis_index("c")

    start = wid * _RPT
    base = jnp.minimum((start // 8) * 8, _ROWS - _WIN)
    cpx = pltpu.async_copy(x_hbm.at[pl.ds(base, _WIN), :], bufx, semx)
    cpy = pltpu.async_copy(y_hbm.at[pl.ds(base, _WIN), :], bufy, semy)

    zero = jnp.zeros((16,), jnp.float32)

    @plsc.parallel_loop(0, _HWORDS, step=16, unroll=8)
    def _zero(o):
        hx[pl.ds(o, 16)] = zero
        hy[pl.ds(o, 16)] = zero

    lane_off = lax.iota(jnp.int32, 16) * _COLS
    one = jnp.float32(1.0)
    r0 = start - base

    cpx.wait()
    cpy.wait()

    @plsc.parallel_loop(0, _RPT * (_W // 16), step=1, unroll=4,
                        carry=(jnp.int32(0), jnp.int32(0)))
    def _accum(i, rc):
        r, c = rc
        ux = bufx[r0 + r, pl.ds(c, 16)] * 255.0
        bx = ux.astype(jnp.int32)
        fx = ux - bx.astype(jnp.float32)
        ix = lane_off + bx
        plsc.addupdate_scatter(hx, [ix], one - fx)
        plsc.addupdate_scatter(hx, [ix + 1], fx)
        uy = bufy[r0 + r, pl.ds(c, 16)] * 255.0
        by = uy.astype(jnp.int32)
        fy = uy - by.astype(jnp.float32)
        iy = lane_off + by
        plsc.addupdate_scatter(hy, [iy], one - fy)
        plsc.addupdate_scatter(hy, [iy + 1], fy)
        nc = c + 16
        wrap = nc >= _W
        return (jnp.where(wrap, r + 1, r), jnp.where(wrap, 0, nc))

    for off in (2048, 1024, 512, 256):
        @plsc.parallel_loop(0, off, step=16, unroll=2)
        def _fold(o, _off=off):
            hx[pl.ds(o, 16)] = hx[pl.ds(o, 16)] + hx[pl.ds(o + _off, 16)]
            hy[pl.ds(o, 16)] = hy[pl.ds(o, 16)] + hy[pl.ds(o + _off, 16)]

    pltpu.sync_copy(hx.at[pl.ds(0, _N_BINS)], outx_hbm.at[wid])
    pltpu.sync_copy(hy.at[pl.ds(0, _N_BINS)], outy_hbm.at[wid])


def _sc_hist(x2, y2):
    mesh = plsc.VectorSubcoreMesh(core_axis_name="c", subcore_axis_name="s")
    part = jax.ShapeDtypeStruct((_NW, _N_BINS), jnp.float32)
    f = pl.kernel(
        _sc_body,
        out_type=[part, part],
        mesh=mesh,
        compiler_params=pltpu.CompilerParams(
            needs_layout_passes=False, use_tc_tiling_on_sc=True),
        scratch_types=[
            pltpu.VMEM((_WIN, _W), jnp.float32),
            pltpu.VMEM((_WIN, _W), jnp.float32),
            pltpu.VMEM((_HWORDS,), jnp.float32),
            pltpu.VMEM((_HWORDS,), jnp.float32),
            pltpu.SemaphoreType.DMA,
            pltpu.SemaphoreType.DMA,
        ],
    )
    return f(x2, y2)


def _tc_loss_body(hx_ref, hy_ref, o_ref):
    d = jnp.sum(hx_ref[...] - hy_ref[...], axis=0, keepdims=True)
    s = jnp.sum(d * d) * _SCALE
    o_ref[...] = jnp.reshape(s, (1, 1))


def _tc_loss(hxp, hyp):
    return pl.pallas_call(
        _tc_loss_body,
        out_shape=jax.ShapeDtypeStruct((1, 1), jnp.float32),
    )(hxp, hyp)


def kernel(x, y):
    x2 = x.reshape(_ROWS, _W)
    y2 = y.reshape(_ROWS, _W)
    hxp, hyp = _sc_hist(x2, y2)
    return _tc_loss(hxp, hyp)[0, 0]

# --- scband reference (transcript-rebuilt; emitter-appended) ---
"""Pipeline reference for scband-histogram-loss-4002909520280 (READ-ONLY COPY).

The authoritative reference and input builder live on the scoring server;
editing this copy changes nothing except your own understanding.
"""

import jax, jax.numpy as jnp
import numpy as np

N_BINS = 256
MIN_VAL = 0.0
MAX_VAL = 1.0
STEP = (MAX_VAL - MIN_VAL) / float(N_BINS - 1)


def setup_inputs(seed: int = 0) -> dict:
    key = jax.random.key(seed)
    k1, k2 = jax.random.split(key)
    x = jax.random.uniform(k1, (2, 3, 224, 224), dtype=jnp.float32)
    y = jax.random.uniform(k2, (2, 3, 224, 224), dtype=jnp.float32)
    return {"x": x, "y": y}


def _soft_hist(v):
    t = jnp.linspace(MIN_VAL, MAX_VAL, N_BINS).reshape(N_BINS, 1)
    flat = v.reshape(-1)
    # (n_bins, N) broadcasted triangular-kernel soft assignment
    diff = jnp.abs(flat[None, :] - t)
    weights = jax.nn.relu(1.0 - diff / STEP)
    return weights.sum(axis=1) / float(flat.size)


def reference(x, y):
    hist_x = _soft_hist(x)
    hist_y = _soft_hist(y)
    loss = jnp.mean((hist_x - hist_y) ** 2)
    return loss

if __name__ == "__main__":
    import jax
    _d = setup_inputs()
    print(jax.jit(kernel)(*tuple(_d.values())))

</pallas_src>

<mosaic_0001>
#map = affine_map<(d0, d1) -> (0, 0)>
module attributes {stable_mosaic.version = 14 : i64} {
  func.func @_sc_body(%arg0: i32, %arg1: i32, %arg2: memref<1344x224xf32, #tpu.memory_space<hbm>>, %arg3: memref<1344x224xf32, #tpu.memory_space<hbm>>, %arg4: memref<32x256xf32, #tpu.memory_space<hbm>>, %arg5: memref<32x256xf32, #tpu.memory_space<hbm>>, %arg6: memref<56x224xf32, #tpu.memory_space<vmem>>, %arg7: memref<56x224xf32, #tpu.memory_space<vmem>>, %arg8: memref<4112xf32, #tpu.memory_space<vmem>>, %arg9: memref<4112xf32, #tpu.memory_space<vmem>>, %arg10: memref<!tpu.dma_semaphore, #tpu.memory_space<semaphore_mem>>, %arg11: memref<!tpu.dma_semaphore, #tpu.memory_space<semaphore_mem>>) attributes {dimension_semantics = [#tpu.dimension_semantics<core_parallel>, #tpu.dimension_semantics<subcore_parallel>], iteration_bounds = array<i64: 2, 16>, scalar_prefetch = 0 : i64, scratch_operands = 6 : i64, tpu.core_type = #tpu.core_type<sc_vector_subcore>, window_params = [{transform_indices = #map}, {transform_indices = #map}, {transform_indices = #map}, {transform_indices = #map}]} {
    %mul3A = arith.constant 2 : i32
    %mul3A_0 = arith.muli %arg1, %mul3A : i32
    %add3A = arith.addi %mul3A_0, %arg0 : i32
    %mul3A_1 = arith.constant 42 : i32
    %mul3A_2 = arith.muli %add3A, %mul3A_1 : i32
    %jit3A = arith.constant 8 : i32
    %div3A = arith.divsi %mul3A_2, %jit3A : i32
    %sign3A = arith.constant 0 : i32
    %sign3A_3 = arith.cmpi sgt, %mul3A_2, %sign3A : i32
    %sign3A_4 = arith.extui %sign3A_3 : i1 to i32
    %sign3A_5 = arith.constant 0 : i32
    %sign3A_6 = arith.cmpi slt, %mul3A_2, %sign3A_5 : i32
    %sign3A_7 = arith.extui %sign3A_6 : i1 to i32
    %sign3A_8 = arith.subi %sign3A_4, %sign3A_7 : i32
    %sign3A_9 = arith.constant 0 : i32
    %sign3A_10 = arith.cmpi sgt, %jit3A, %sign3A_9 : i32
    %sign3A_11 = arith.extui %sign3A_10 : i1 to i32
    %sign3A_12 = arith.constant 0 : i32
    %sign3A_13 = arith.cmpi slt, %jit3A, %sign3A_12 : i32
    %sign3A_14 = arith.extui %sign3A_13 : i1 to i32
    %sign3A_15 = arith.subi %sign3A_11, %sign3A_14 : i32
    %ne3A = arith.cmpi ne, %sign3A_8, %sign3A_15 : i32
    %rem3A = arith.remsi %mul3A_2, %jit3A : i32
    %ne3A_16 = arith.constant 0 : i32
    %ne3A_17 = arith.cmpi ne, %rem3A, %ne3A_16 : i32
    %and3A = arith.andi %ne3A, %ne3A_17 : i1
    %sub3A = arith.constant 1 : i32
    %sub3A_18 = arith.subi %div3A, %sub3A : i32
    %select_n3A = arith.select %and3A, %sub3A_18, %div3A : i32
    %mul3A_19 = arith.constant 8 : i32
    %mul3A_20 = arith.muli %select_n3A, %mul3A_19 : i32
    %min3A = arith.constant 1288 : i32
    %min3A_21 = arith.minsi %mul3A_20, %min3A : i32
    %dma_start3A = arith.constant 0 : i32
    %dma_start3A_22 = tpu.memref_slice %arg2[%min3A_21, %dma_start3A] : memref<1344x224xf32, #tpu.memory_space<hbm>> -> memref<56x224xf32, #tpu.memory_space<hbm>>
    %dma_start3A_23 = arith.constant 0 : i32
    %dma_start3A_24 = tpu.memref_slice %arg2[%min3A_21, %dma_start3A_23] : memref<1344x224xf32, #tpu.memory_space<hbm>> -> memref<56x224xf32, #tpu.memory_space<hbm>>
    tpu.enqueue_dma source(%dma_start3A_24 : memref<56x224xf32, #tpu.memory_space<hbm>>) target(%arg6 : memref<56x224xf32, #tpu.memory_space<vmem>>) target_semaphore(%arg10 : memref<!tpu.dma_semaphore, #tpu.memory_space<semaphore_mem>>)
    %dma_start3A_25 = arith.constant 0 : i32
    %dma_start3A_26 = tpu.memref_slice %arg3[%min3A_21, %dma_start3A_25] : memref<1344x224xf32, #tpu.memory_space<hbm>> -> memref<56x224xf32, #tpu.memory_space<hbm>>
    %dma_start3A_27 = arith.constant 0 : i32
    %dma_start3A_28 = tpu.memref_slice %arg3[%min3A_21, %dma_start3A_27] : memref<1344x224xf32, #tpu.memory_space<hbm>> -> memref<56x224xf32, #tpu.memory_space<hbm>>
    tpu.enqueue_dma source(%dma_start3A_28 : memref<56x224xf32, #tpu.memory_space<hbm>>) target(%arg7 : memref<56x224xf32, #tpu.memory_space<vmem>>) target_semaphore(%arg11 : memref<!tpu.dma_semaphore, #tpu.memory_space<semaphore_mem>>)
    %broadcast_in_dim3A = arith.constant 0.000000e+00 : f32
    %broadcast_in_dim3A_29 = vector.broadcast %broadcast_in_dim3A : f32 to vector<16xf32>
    %parallel_loop3A = arith.constant 0 : i32
    %parallel_loop3A_30 = arith.constant 4112 : i32
    %parallel_loop3A_31 = arith.constant 16 : i32
    scf.for %parallel_loop3A_62 = %parallel_loop3A to %parallel_loop3A_30 step %parallel_loop3A_31  : i32 {
      %parallel_loop3A_63 = arith.index_cast %parallel_loop3A_62 : i32 to index
      %parallel_loop3A_64 = tpu.vector_load %arg8[%parallel_loop3A_63] {strides = array<i32>} : memref<4112xf32, #tpu.memory_space<vmem>>, vector<16xf32>,
      tpu.vector_store %arg8[%parallel_loop3A_63], %broadcast_in_dim3A_29 {strides = array<i32>} : memref<4112xf32, #tpu.memory_space<vmem>>, vector<16xf32>,
      %parallel_loop3A_65 = arith.index_cast %parallel_loop3A_62 : i32 to index
      %parallel_loop3A_66 = tpu.vector_load %arg9[%parallel_loop3A_65] {strides = array<i32>} : memref<4112xf32, #tpu.memory_space<vmem>>, vector<16xf32>,
      tpu.vector_store %arg9[%parallel_loop3A_65], %broadcast_in_dim3A_29 {strides = array<i32>} : memref<4112xf32, #tpu.memory_space<vmem>>, vector<16xf32>,
    } {sc.loop_unroll_factor = 8 : i64, sc.parallel_access}
    %iota3A = tpu.iota {dimensions = array<i32: 0>} : vector<16xi32>
    %mul3A_32 = arith.constant 256 : i32
    %mul3A_33 = vector.broadcast %mul3A_32 : i32 to vector<16xi32>
    %mul3A_34 = arith.muli %iota3A, %mul3A_33 : vector<16xi32>
    %sub3A_35 = arith.subi %mul3A_2, %min3A_21 : i32
    %dma_wait3A = arith.constant 0 : i32
    %dma_wait3A_36 = tpu.memref_slice %arg2[%min3A_21, %dma_wait3A] : memref<1344x224xf32, #tpu.memory_space<hbm>> -> memref<56x224xf32, #tpu.memory_space<hbm>>
    %dma_wait3A_37 = arith.constant 0 : i32
    %dma_wait3A_38 = tpu.memref_slice %arg2[%min3A_21, %dma_wait3A_37] : memref<1344x224xf32, #tpu.memory_space<hbm>> -> memref<56x224xf32, #tpu.memory_space<hbm>>
    tpu.wait_dma2 semaphore(%arg10 : memref<!tpu.dma_semaphore, #tpu.memory_space<semaphore_mem>>) src(%dma_wait3A_38 : memref<56x224xf32, #tpu.memory_space<hbm>>) dst(%arg6 : memref<56x224xf32, #tpu.memory_space<vmem>>)
    %dma_wait3A_39 = arith.constant 0 : i32
    %dma_wait3A_40 = tpu.memref_slice %arg3[%min3A_21, %dma_wait3A_39] : memref<1344x224xf32, #tpu.memory_space<hbm>> -> memref<56x224xf32, #tpu.memory_space<hbm>>
    %dma_wait3A_41 = arith.constant 0 : i32
    %dma_wait3A_42 = tpu.memref_slice %arg3[%min3A_21, %dma_wait3A_41] : memref<1344x224xf32, #tpu.memory_space<hbm>> -> memref<56x224xf32, #tpu.memory_space<hbm>>
    tpu.wait_dma2 semaphore(%arg11 : memref<!tpu.dma_semaphore, #tpu.memory_space<semaphore_mem>>) src(%dma_wait3A_42 : memref<56x224xf32, #tpu.memory_space<hbm>>) dst(%arg7 : memref<56x224xf32, #tpu.memory_space<vmem>>)
    %parallel_loop3A_43 = arith.constant 0 : i32
    %parallel_loop3A_44 = arith.constant 588 : i32
    %parallel_loop3A_45 = arith.constant 1 : i32
    %parallel_loop3A_46 = arith.constant 1.000000e+00 : f32
    %parallel_loop3A_47 = arith.constant 0 : i32
    %parallel_loop3A_48 = arith.constant 0 : i32
    %parallel_loop3A_49:2 = scf.for %parallel_loop3A_62 = %parallel_loop3A_43 to %parallel_loop3A_44 step %parallel_loop3A_45 iter_args(%parallel_loop3A_63 = %parallel_loop3A_47, %parallel_loop3A_64 = %parallel_loop3A_48) -> (i32, i32)  : i32 {
      %parallel_loop3A_65 = arith.addi %sub3A_35, %parallel_loop3A_63 : i32
      %parallel_loop3A_66 = arith.index_cast %parallel_loop3A_65 : i32 to index
      %parallel_loop3A_67 = arith.index_cast %parallel_loop3A_64 : i32 to index
      %parallel_loop3A_68 = tpu.vector_load %arg6[%parallel_loop3A_66, %parallel_loop3A_67] {strides = array<i32>} : memref<56x224xf32, #tpu.memory_space<vmem>>, vector<16xf32>,
      %parallel_loop3A_69 = arith.constant 2.550000e+02 : f32
      %parallel_loop3A_70 = vector.broadcast %parallel_loop3A_69 : f32 to vector<16xf32>
      %parallel_loop3A_71 = arith.mulf %parallel_loop3A_68, %parallel_loop3A_70 : vector<16xf32>
      %parallel_loop3A_72 = arith.fptosi %parallel_loop3A_71 : vector<16xf32> to vector<16xi32>
      %parallel_loop3A_73 = arith.sitofp %parallel_loop3A_72 : vector<16xi32> to vector<16xf32>
      %parallel_loop3A_74 = arith.subf %parallel_loop3A_71, %parallel_loop3A_73 : vector<16xf32>
      %parallel_loop3A_75 = arith.addi %mul3A_34, %parallel_loop3A_72 : vector<16xi32>
      %parallel_loop3A_76 = vector.broadcast %parallel_loop3A_46 : f32 to vector<16xf32>
      %parallel_loop3A_77 = arith.subf %parallel_loop3A_76, %parallel_loop3A_74 : vector<16xf32>
      tpu.vector_store_idx %arg8[%parallel_loop3A_75], %parallel_loop3A_77 {add = true} : memref<4112xf32, #tpu.memory_space<vmem>>[vector<16xi32>], vector<16xf32>,
      %parallel_loop3A_78 = arith.constant 1 : i32
      %parallel_loop3A_79 = vector.broadcast %parallel_loop3A_78 : i32 to vector<16xi32>
      %parallel_loop3A_80 = arith.addi %parallel_loop3A_75, %parallel_loop3A_79 : vector<16xi32>
      tpu.vector_store_idx %arg8[%parallel_loop3A_80], %parallel_loop3A_74 {add = true} : memref<4112xf32, #tpu.memory_space<vmem>>[vector<16xi32>], vector<16xf32>,
      %parallel_loop3A_81 = arith.addi %sub3A_35, %parallel_loop3A_63 : i32
      %parallel_loop3A_82 = arith.index_cast %parallel_loop3A_81 : i32 to index
      %parallel_loop3A_83 = arith.index_cast %parallel_loop3A_64 : i32 to index
      %parallel_loop3A_84 = tpu.vector_load %arg7[%parallel_loop3A_82, %parallel_loop3A_83] {strides = array<i32>} : memref<56x224xf32, #tpu.memory_space<vmem>>, vector<16xf32>,
      %parallel_loop3A_85 = arith.constant 2.550000e+02 : f32
      %parallel_loop3A_86 = vector.broadcast %parallel_loop3A_85 : f32 to vector<16xf32>
      %parallel_loop3A_87 = arith.mulf %parallel_loop3A_84, %parallel_loop3A_86 : vector<16xf32>
      %parallel_loop3A_88 = arith.fptosi %parallel_loop3A_87 : vector<16xf32> to vector<16xi32>
      %parallel_loop3A_89 = arith.sitofp %parallel_loop3A_88 : vector<16xi32> to vector<16xf32>
      %parallel_loop3A_90 = arith.subf %parallel_loop3A_87, %parallel_loop3A_89 : vector<16xf32>
      %parallel_loop3A_91 = arith.addi %mul3A_34, %parallel_loop3A_88 : vector<16xi32>
      %parallel_loop3A_92 = vector.broadcast %parallel_loop3A_46 : f32 to vector<16xf32>
      %parallel_loop3A_93 = arith.subf %parallel_loop3A_92, %parallel_loop3A_90 : vector<16xf32>
      tpu.vector_store_idx %arg9[%parallel_loop3A_91], %parallel_loop3A_93 {add = true} : memref<4112xf32, #tpu.memory_space<vmem>>[vector<16xi32>], vector<16xf32>,
      %parallel_loop3A_94 = arith.constant 1 : i32
      %parallel_loop3A_95 = vector.broadcast %parallel_loop3A_94 : i32 to vector<16xi32>
      %parallel_loop3A_96 = arith.addi %parallel_loop3A_91, %parallel_loop3A_95 : vector<16xi32>
      tpu.vector_store_idx %arg9[%parallel_loop3A_96], %parallel_loop3A_90 {add = true} : memref<4112xf32, #tpu.memory_space<vmem>>[vector<16xi32>], vector<16xf32>,
      %parallel_loop3A_97 = arith.constant 16 : i32
      %parallel_loop3A_98 = arith.addi %parallel_loop3A_64, %parallel_loop3A_97 : i32
      %parallel_loop3A_99 = arith.constant 224 : i32
      %parallel_loop3A_100 = arith.cmpi sge, %parallel_loop3A_98, %parallel_loop3A_99 : i32
      %parallel_loop3A_101 = arith.constant 1 : i32
      %parallel_loop3A_102 = arith.addi %parallel_loop3A_63, %parallel_loop3A_101 : i32
      %parallel_loop3A_103 = arith.select %parallel_loop3A_100, %parallel_loop3A_102, %parallel_loop3A_63 : i32
      %parallel_loop3A_104 = arith.constant 0 : i32
      %parallel_loop3A_105 = arith.select %parallel_loop3A_100, %parallel_loop3A_104, %parallel_loop3A_98 : i32
      scf.yield %parallel_loop3A_103, %parallel_loop3A_105 : i32, i32
    } {sc.loop_unroll_factor = 4 : i64, sc.parallel_access}
    %parallel_loop3A_50 = arith.constant 0 : i32
    %parallel_loop3A_51 = arith.constant 2048 : i32
    %parallel_loop3A_52 = arith.constant 16 : i32
    scf.for %parallel_loop3A_62 = %parallel_loop3A_50 to %parallel_loop3A_51 step %parallel_loop3A_52  : i32 {
      %parallel_loop3A_63 = arith.index_cast %parallel_loop3A_62 : i32 to index
      %parallel_loop3A_64 = tpu.vector_load %arg8[%parallel_loop3A_63] {strides = array<i32>} : memref<4112xf32, #tpu.memory_space<vmem>>, vector<16xf32>,
      %parallel_loop3A_65 = arith.constant 2048 : i32
      %parallel_loop3A_66 = arith.addi %parallel_loop3A_62, %parallel_loop3A_65 : i32
      %parallel_loop3A_67 = arith.index_cast %parallel_loop3A_66 : i32 to index
      %parallel_loop3A_68 = tpu.vector_load %arg8[%parallel_loop3A_67] {strides = array<i32>} : memref<4112xf32, #tpu.memory_space<vmem>>, vector<16xf32>,
      %parallel_loop3A_69 = arith.addf %parallel_loop3A_64, %parallel_loop3A_68 : vector<16xf32>
      %parallel_loop3A_70 = arith.index_cast %parallel_loop3A_62 : i32 to index
      %parallel_loop3A_71 = tpu.vector_load %arg8[%parallel_loop3A_70] {strides = array<i32>} : memref<4112xf32, #tpu.memory_space<vmem>>, vector<16xf32>,
      tpu.vector_store %arg8[%parallel_loop3A_70], %parallel_loop3A_69 {strides = array<i32>} : memref<4112xf32, #tpu.memory_space<vmem>>, vector<16xf32>,
      %parallel_loop3A_72 = arith.index_cast %parallel_loop3A_62 : i32 to index
      %parallel_loop3A_73 = tpu.vector_load %arg9[%parallel_loop3A_72] {strides = array<i32>} : memref<4112xf32, #tpu.memory_space<vmem>>, vector<16xf32>,
      %parallel_loop3A_74 = arith.constant 2048 : i32
      %parallel_loop3A_75 = arith.addi %parallel_loop3A_62, %parallel_loop3A_74 : i32
      %parallel_loop3A_76 = arith.index_cast %parallel_loop3A_75 : i32 to index
      %parallel_loop3A_77 = tpu.vector_load %arg9[%parallel_loop3A_76] {strides = array<i32>} : memref<4112xf32, #tpu.memory_space<vmem>>, vector<16xf32>,
      %parallel_loop3A_78 = arith.addf %parallel_loop3A_73, %parallel_loop3A_77 : vector<16xf32>
      %parallel_loop3A_79 = arith.index_cast %parallel_loop3A_62 : i32 to index
      %parallel_loop3A_80 = tpu.vector_load %arg9[%parallel_loop3A_79] {strides = array<i32>} : memref<4112xf32, #tpu.memory_space<vmem>>, vector<16xf32>,
      tpu.vector_store %arg9[%parallel_loop3A_79], %parallel_loop3A_78 {strides = array<i32>} : memref<4112xf32, #tpu.memory_space<vmem>>, vector<16xf32>,
    } {sc.loop_unroll_factor = 2 : i64, sc.parallel_access}
    %parallel_loop3A_53 = arith.constant 0 : i32
    %parallel_loop3A_54 = arith.constant 1024 : i32
    %parallel_loop3A_55 = arith.constant 16 : i32
    scf.for %parallel_loop3A_62 = %parallel_loop3A_53 to %parallel_loop3A_54 step %parallel_loop3A_55  : i32 {
      %parallel_loop3A_63 = arith.index_cast %parallel_loop3A_62 : i32 to index
      %parallel_loop3A_64 = tpu.vector_load %arg8[%parallel_loop3A_63] {strides = array<i32>} : memref<4112xf32, #tpu.memory_space<vmem>>, vector<16xf32>,
      %parallel_loop3A_65 = arith.constant 1024 : i32
      %parallel_loop3A_66 = arith.addi %parallel_loop3A_62, %parallel_loop3A_65 : i32
      %parallel_loop3A_67 = arith.index_cast %parallel_loop3A_66 : i32 to index
      %parallel_loop3A_68 = tpu.vector_load %arg8[%parallel_loop3A_67] {strides = array<i32>} : memref<4112xf32, #tpu.memory_space<vmem>>, vector<16xf32>,
      %parallel_loop3A_69 = arith.addf %parallel_loop3A_64, %parallel_loop3A_68 : vector<16xf32>
      %parallel_loop3A_70 = arith.index_cast %parallel_loop3A_62 : i32 to index
      %parallel_loop3A_71 = tpu.vector_load %arg8[%parallel_loop3A_70] {strides = array<i32>} : memref<4112xf32, #tpu.memory_space<vmem>>, vector<16xf32>,
      tpu.vector_store %arg8[%parallel_loop3A_70], %parallel_loop3A_69 {strides = array<i32>} : memref<4112xf32, #tpu.memory_space<vmem>>, vector<16xf32>,
      %parallel_loop3A_72 = arith.index_cast %parallel_loop3A_62 : i32 to index
      %parallel_loop3A_73 = tpu.vector_load %arg9[%parallel_loop3A_72] {strides = array<i32>} : memref<4112xf32, #tpu.memory_space<vmem>>, vector<16xf32>,
      %parallel_loop3A_74 = arith.constant 1024 : i32
      %parallel_loop3A_75 = arith.addi %parallel_loop3A_62, %parallel_loop3A_74 : i32
      %parallel_loop3A_76 = arith.index_cast %parallel_loop3A_75 : i32 to index
      %parallel_loop3A_77 = tpu.vector_load %arg9[%parallel_loop3A_76] {strides = array<i32>} : memref<4112xf32, #tpu.memory_space<vmem>>, vector<16xf32>,
      %parallel_loop3A_78 = arith.addf %parallel_loop3A_73, %parallel_loop3A_77 : vector<16xf32>
      %parallel_loop3A_79 = arith.index_cast %parallel_loop3A_62 : i32 to index
      %parallel_loop3A_80 = tpu.vector_load %arg9[%parallel_loop3A_79] {strides = array<i32>} : memref<4112xf32, #tpu.memory_space<vmem>>, vector<16xf32>,
      tpu.vector_store %arg9[%parallel_loop3A_79], %parallel_loop3A_78 {strides = array<i32>} : memref<4112xf32, #tpu.memory_space<vmem>>, vector<16xf32>,
    } {sc.loop_unroll_factor = 2 : i64, sc.parallel_access}
    %parallel_loop3A_56 = arith.constant 0 : i32
    %parallel_loop3A_57 = arith.constant 512 : i32
    %parallel_loop3A_58 = arith.constant 16 : i32
    scf.for %parallel_loop3A_62 = %parallel_loop3A_56 to %parallel_loop3A_57 step %parallel_loop3A_58  : i32 {
      %parallel_loop3A_63 = arith.index_cast %parallel_loop3A_62 : i32 to index
      %parallel_loop3A_64 = tpu.vector_load %arg8[%parallel_loop3A_63] {strides = array<i32>} : memref<4112xf32, #tpu.memory_space<vmem>>, vector<16xf32>,
      %parallel_loop3A_65 = arith.constant 512 : i32
      %parallel_loop3A_66 = arith.addi %parallel_loop3A_62, %parallel_loop3A_65 : i32
      %parallel_loop3A_67 = arith.index_cast %parallel_loop3A_66 : i32 to index
      %parallel_loop3A_68 = tpu.vector_load %arg8[%parallel_loop3A_67] {strides = array<i32>} : memref<4112xf32, #tpu.memory_space<vmem>>, vector<16xf32>,
      %parallel_loop3A_69 = arith.addf %parallel_loop3A_64, %parallel_loop3A_68 : vector<16xf32>
      %parallel_loop3A_70 = arith.index_cast %parallel_loop3A_62 : i32 to index
      %parallel_loop3A_71 = tpu.vector_load %arg8[%parallel_loop3A_70] {strides = array<i32>} : memref<4112xf32, #tpu.memory_space<vmem>>, vector<16xf32>,
      tpu.vector_store %arg8[%parallel_loop3A_70], %parallel_loop3A_69 {strides = array<i32>} : memref<4112xf32, #tpu.memory_space<vmem>>, vector<16xf32>,
      %parallel_loop3A_72 = arith.index_cast %parallel_loop3A_62 : i32 to index
      %parallel_loop3A_73 = tpu.vector_load %arg9[%parallel_loop3A_72] {strides = array<i32>} : memref<4112xf32, #tpu.memory_space<vmem>>, vector<16xf32>,
      %parallel_loop3A_74 = arith.constant 512 : i32
      %parallel_loop3A_75 = arith.addi %parallel_loop3A_62, %parallel_loop3A_74 : i32
      %parallel_loop3A_76 = arith.index_cast %parallel_loop3A_75 : i32 to index
      %parallel_loop3A_77 = tpu.vector_load %arg9[%parallel_loop3A_76] {strides = array<i32>} : memref<4112xf32, #tpu.memory_space<vmem>>, vector<16xf32>,
      %parallel_loop3A_78 = arith.addf %parallel_loop3A_73, %parallel_loop3A_77 : vector<16xf32>
      %parallel_loop3A_79 = arith.index_cast %parallel_loop3A_62 : i32 to index
      %parallel_loop3A_80 = tpu.vector_load %arg9[%parallel_loop3A_79] {strides = array<i32>} : memref<4112xf32, #tpu.memory_space<vmem>>, vector<16xf32>,
      tpu.vector_store %arg9[%parallel_loop3A_79], %parallel_loop3A_78 {strides = array<i32>} : memref<4112xf32, #tpu.memory_space<vmem>>, vector<16xf32>,
    } {sc.loop_unroll_factor = 2 : i64, sc.parallel_access}
    %parallel_loop3A_59 = arith.constant 0 : i32
    %parallel_loop3A_60 = arith.constant 256 : i32
    %parallel_loop3A_61 = arith.constant 16 : i32
    scf.for %parallel_loop3A_62 = %parallel_loop3A_59 to %parallel_loop3A_60 step %parallel_loop3A_61  : i32 {
      %parallel_loop3A_63 = arith.index_cast %parallel_loop3A_62 : i32 to index
      %parallel_loop3A_64 = tpu.vector_load %arg8[%parallel_loop3A_63] {strides = array<i32>} : memref<4112xf32, #tpu.memory_space<vmem>>, vector<16xf32>,
      %parallel_loop3A_65 = arith.constant 256 : i32
      %parallel_loop3A_66 = arith.addi %parallel_loop3A_62, %parallel_loop3A_65 : i32
      %parallel_loop3A_67 = arith.index_cast %parallel_loop3A_66 : i32 to index
      %parallel_loop3A_68 = tpu.vector_load %arg8[%parallel_loop3A_67] {strides = array<i32>} : memref<4112xf32, #tpu.memory_space<vmem>>, vector<16xf32>,
      %parallel_loop3A_69 = arith.addf %parallel_loop3A_64, %parallel_loop3A_68 : vector<16xf32>
      %parallel_loop3A_70 = arith.index_cast %parallel_loop3A_62 : i32 to index
      %parallel_loop3A_71 = tpu.vector_load %arg8[%parallel_loop3A_70] {strides = array<i32>} : memref<4112xf32, #tpu.memory_space<vmem>>, vector<16xf32>,
      tpu.vector_store %arg8[%parallel_loop3A_70], %parallel_loop3A_69 {strides = array<i32>} : memref<4112xf32, #tpu.memory_space<vmem>>, vector<16xf32>,
      %parallel_loop3A_72 = arith.index_cast %parallel_loop3A_62 : i32 to index
      %parallel_loop3A_73 = tpu.vector_load %arg9[%parallel_loop3A_72] {strides = array<i32>} : memref<4112xf32, #tpu.memory_space<vmem>>, vector<16xf32>,
      %parallel_loop3A_74 = arith.constant 256 : i32
      %parallel_loop3A_75 = arith.addi %parallel_loop3A_62, %parallel_loop3A_74 : i32
      %parallel_loop3A_76 = arith.index_cast %parallel_loop3A_75 : i32 to index
      %parallel_loop3A_77 = tpu.vector_load %arg9[%parallel_loop3A_76] {strides = array<i32>} : memref<4112xf32, #tpu.memory_space<vmem>>, vector<16xf32>,
      %parallel_loop3A_78 = arith.addf %parallel_loop3A_73, %parallel_loop3A_77 : vector<16xf32>
      %parallel_loop3A_79 = arith.index_cast %parallel_loop3A_62 : i32 to index
      %parallel_loop3A_80 = tpu.vector_load %arg9[%parallel_loop3A_79] {strides = array<i32>} : memref<4112xf32, #tpu.memory_space<vmem>>, vector<16xf32>,
      tpu.vector_store %arg9[%parallel_loop3A_79], %parallel_loop3A_78 {strides = array<i32>} : memref<4112xf32, #tpu.memory_space<vmem>>, vector<16xf32>,
    } {sc.loop_unroll_factor = 2 : i64, sc.parallel_access}
    "tpu.region"() ({
      %run_scoped3A = tpu.sem_alloc : memref<!tpu.dma_semaphore, #tpu.memory_space<semaphore_mem>>
      %dma_start3A_62 = arith.constant 0 : i32
      %dma_start3A_63 = tpu.memref_slice %arg8[%dma_start3A_62] : memref<4112xf32, #tpu.memory_space<vmem>> -> memref<256xf32, #tpu.memory_space<vmem>>
      %dma_start3A_64 = arith.constant 0 : i32
      %dma_start3A_65 = tpu.memref_slice %arg4[%add3A, %dma_start3A_64] : memref<32x256xf32, #tpu.memory_space<hbm>> -> memref<1x256xf32, #tpu.memory_space<hbm>>
      %dma_start3A_66 = tpu.memref_squeeze %dma_start3A_65 : memref<1x256xf32, #tpu.memory_space<hbm>> -> memref<256xf32, #tpu.memory_space<hbm>>
      %dma_start3A_67 = arith.constant 0 : i32
      %dma_start3A_68 = tpu.memref_slice %arg4[%add3A, %dma_start3A_67] : memref<32x256xf32, #tpu.memory_space<hbm>> -> memref<1x256xf32, #tpu.memory_space<hbm>>
      %dma_start3A_69 = tpu.memref_squeeze %dma_start3A_68 : memref<1x256xf32, #tpu.memory_space<hbm>> -> memref<256xf32, #tpu.memory_space<hbm>>
      %dma_start3A_70 = arith.constant 0 : i32
      %dma_start3A_71 = tpu.memref_slice %arg8[%dma_start3A_70] : memref<4112xf32, #tpu.memory_space<vmem>> -> memref<256xf32, #tpu.memory_space<vmem>>
      tpu.enqueue_dma source(%dma_start3A_71 : memref<256xf32, #tpu.memory_space<vmem>>) target(%dma_start3A_69 : memref<256xf32, #tpu.memory_space<hbm>>) target_semaphore(%run_scoped3A : memref<!tpu.dma_semaphore, #tpu.memory_space<semaphore_mem>>)
      %dma_wait3A_72 = arith.constant 0 : i32
      %dma_wait3A_73 = tpu.memref_slice %arg8[%dma_wait3A_72] : memref<4112xf32, #tpu.memory_space<vmem>> -> memref<256xf32, #tpu.memory_space<vmem>>
      %dma_wait3A_74 = arith.constant 0 : i32
      %dma_wait3A_75 = tpu.memref_slice %arg4[%add3A, %dma_wait3A_74] : memref<32x256xf32, #tpu.memory_space<hbm>> -> memref<1x256xf32, #tpu.memory_space<hbm>>
      %dma_wait3A_76 = tpu.memref_squeeze %dma_wait3A_75 : memref<1x256xf32, #tpu.memory_space<hbm>> -> memref<256xf32, #tpu.memory_space<hbm>>
      %dma_wait3A_77 = arith.constant 0 : i32
      %dma_wait3A_78 = tpu.memref_slice %arg4[%add3A, %dma_wait3A_77] : memref<32x256xf32, #tpu.memory_space<hbm>> -> memref<1x256xf32, #tpu.memory_space<hbm>>
      %dma_wait3A_79 = tpu.memref_squeeze %dma_wait3A_78 : memref<1x256xf32, #tpu.memory_space<hbm>> -> memref<256xf32, #tpu.memory_space<hbm>>
      %dma_wait3A_80 = arith.constant 0 : i32
      %dma_wait3A_81 = tpu.memref_slice %arg8[%dma_wait3A_80] : memref<4112xf32, #tpu.memory_space<vmem>> -> memref<256xf32, #tpu.memory_space<vmem>>
      tpu.wait_dma2 semaphore(%run_scoped3A : memref<!tpu.dma_semaphore, #tpu.memory_space<semaphore_mem>>) src(%dma_wait3A_81 : memref<256xf32, #tpu.memory_space<vmem>>) dst(%dma_wait3A_79 : memref<256xf32, #tpu.memory_space<hbm>>)
      tpu.yield
    }) : () -> ()
    "tpu.region"() ({
      %run_scoped3A = tpu.sem_alloc : memref<!tpu.dma_semaphore, #tpu.memory_space<semaphore_mem>>
      %dma_start3A_62 = arith.constant 0 : i32
      %dma_start3A_63 = tpu.memref_slice %arg9[%dma_start3A_62] : memref<4112xf32, #tpu.memory_space<vmem>> -> memref<256xf32, #tpu.memory_space<vmem>>
      %dma_start3A_64 = arith.constant 0 : i32
      %dma_start3A_65 = tpu.memref_slice %arg5[%add3A, %dma_start3A_64] : memref<32x256xf32, #tpu.memory_space<hbm>> -> memref<1x256xf32, #tpu.memory_space<hbm>>
      %dma_start3A_66 = tpu.memref_squeeze %dma_start3A_65 : memref<1x256xf32, #tpu.memory_space<hbm>> -> memref<256xf32, #tpu.memory_space<hbm>>
      %dma_start3A_67 = arith.constant 0 : i32
      %dma_start3A_68 = tpu.memref_slice %arg5[%add3A, %dma_start3A_67] : memref<32x256xf32, #tpu.memory_space<hbm>> -> memref<1x256xf32, #tpu.memory_space<hbm>>
      %dma_start3A_69 = tpu.memref_squeeze %dma_start3A_68 : memref<1x256xf32, #tpu.memory_space<hbm>> -> memref<256xf32, #tpu.memory_space<hbm>>
      %dma_start3A_70 = arith.constant 0 : i32
      %dma_start3A_71 = tpu.memref_slice %arg9[%dma_start3A_70] : memref<4112xf32, #tpu.memory_space<vmem>> -> memref<256xf32, #tpu.memory_space<vmem>>
      tpu.enqueue_dma source(%dma_start3A_71 : memref<256xf32, #tpu.memory_space<vmem>>) target(%dma_start3A_69 : memref<256xf32, #tpu.memory_space<hbm>>) target_semaphore(%run_scoped3A : memref<!tpu.dma_semaphore, #tpu.memory_space<semaphore_mem>>)
      %dma_wait3A_72 = arith.constant 0 : i32
      %dma_wait3A_73 = tpu.memref_slice %arg9[%dma_wait3A_72] : memref<4112xf32, #tpu.memory_space<vmem>> -> memref<256xf32, #tpu.memory_space<vmem>>
      %dma_wait3A_74 = arith.constant 0 : i32
      %dma_wait3A_75 = tpu.memref_slice %arg5[%add3A, %dma_wait3A_74] : memref<32x256xf32, #tpu.memory_space<hbm>> -> memref<1x256xf32, #tpu.memory_space<hbm>>
      %dma_wait3A_76 = tpu.memref_squeeze %dma_wait3A_75 : memref<1x256xf32, #tpu.memory_space<hbm>> -> memref<256xf32, #tpu.memory_space<hbm>>
      %dma_wait3A_77 = arith.constant 0 : i32
      %dma_wait3A_78 = tpu.memref_slice %arg5[%add3A, %dma_wait3A_77] : memref<32x256xf32, #tpu.memory_space<hbm>> -> memref<1x256xf32, #tpu.memory_space<hbm>>
      %dma_wait3A_79 = tpu.memref_squeeze %dma_wait3A_78 : memref<1x256xf32, #tpu.memory_space<hbm>> -> memref<256xf32, #tpu.memory_space<hbm>>
      %dma_wait3A_80 = arith.constant 0 : i32
      %dma_wait3A_81 = tpu.memref_slice %arg9[%dma_wait3A_80] : memref<4112xf32, #tpu.memory_space<vmem>> -> memref<256xf32, #tpu.memory_space<vmem>>
      tpu.wait_dma2 semaphore(%run_scoped3A : memref<!tpu.dma_semaphore, #tpu.memory_space<semaphore_mem>>) src(%dma_wait3A_81 : memref<256xf32, #tpu.memory_space<vmem>>) dst(%dma_wait3A_79 : memref<256xf32, #tpu.memory_space<hbm>>)
      tpu.yield
    }) : () -> ()
    return
  }
}

module attributes {stable_mosaic.version = 14 : i64} {
  func.func @_tc_loss_body(%arg0: memref<32x256xf32, #tpu.memory_space<vmem>>, %arg1: memref<32x256xf32, #tpu.memory_space<vmem>>, %arg2: memref<1x1xf32, #tpu.memory_space<vmem>>) attributes {dimension_semantics = [], scalar_prefetch = 0 : i64, scratch_operands = 0 : i64, tpu.core_type = #tpu.core_type<tc>} {
    %get3A = arith.constant 0 : index
    %get3A_0 = arith.constant 0 : index
    %get3A_1 = vector.load %arg0[%get3A, %get3A_0] : memref<32x256xf32, #tpu.memory_space<vmem>>, vector<32x256xf32>
    %get3A_2 = arith.constant 0 : index
    %get3A_3 = arith.constant 0 : index
    %get3A_4 = vector.load %arg1[%get3A_2, %get3A_3] : memref<32x256xf32, #tpu.memory_space<vmem>>, vector<32x256xf32>
    %sub3A = arith.subf %get3A_1, %get3A_4 : vector<32x256xf32>
    %reduce_sum3A = arith.constant dense<0.000000e+00> : vector<256xf32>
    %reduce_sum3A_5 = vector.multi_reduction <add>, %sub3A, %reduce_sum3A [0] : vector<32x256xf32> to vector<256xf32>
    %broadcast_in_dim3A = vector.shape_cast %reduce_sum3A_5 : vector<256xf32> to vector<1x256xf32>
    %mul3A = arith.mulf %broadcast_in_dim3A, %broadcast_in_dim3A : vector<1x256xf32>
    %reduce_sum3A_6 = vector.shape_cast %mul3A : vector<1x256xf32> to vector<1x1x256xf32>
    %reduce_sum3A_7 = arith.constant dense<0.000000e+00> : vector<1xf32>
    %reduce_sum3A_8 = vector.multi_reduction <add>, %reduce_sum3A_6, %reduce_sum3A_7 [1, 2] : vector<1x1x256xf32> to vector<1xf32>
    %reduce_sum3A_9 = vector.shape_cast %reduce_sum3A_8 : vector<1xf32> to vector<1x1x1xf32>
    %reduce_sum3A_10 = vector.extract %reduce_sum3A_9[0, 0, 0] : f32 from vector<1x1x1xf32>
    %mul3A_11 = arith.constant 4.30988287E-14 : f32
    %mul3A_12 = arith.mulf %reduce_sum3A_10, %mul3A_11 : f32
    %reshape3A = vector.broadcast %mul3A_12 : f32 to vector<1x1xf32>
    %swap3A = arith.constant 0 : index
    %swap3A_13 = arith.constant 0 : index
    %swap3A_14 = vector.load %arg2[%swap3A, %swap3A_13] : memref<1x1xf32, #tpu.memory_space<vmem>>, vector<1x1xf32>
    tpu.vector_store %arg2[%swap3A, %swap3A_13], %reshape3A {strides = array<i32>} : memref<1x1xf32, #tpu.memory_space<vmem>>, vector<1x1xf32>,
    return
  }
}

</mosaic_0001>

<sc_bundles>
// kernel: kernel.4.cloned.1.call-start
scs
__scs_entry_jumppad:
0x0: {  	(pc) =	sbr.rel $0x88, $3  }
0x1: {  	(tag) =	ssettag $0x0;
	lr =	simm.s32 $0x1  }
0x2: {  	[smem:$0x3F9F] =	sst lr;
	_ =	strace $0xD0000000  }
0x3: {  	_ = 	snop  }
0x4: {  	_ = 	snop  }
0x5: {  	_ = 	snop  }
0x6: {  	_ = 	snop  }
0x7: {  	_ = 	snop  }
__scs_overlays_trampoline_lowered:
0x8: {  	[smem:$0x3FAE] =	sst s0  }
0x9: {  	[smem:$0x3FAF] =	sst s1  }
0xa: {  	[smem:$0x3FB0] =	sst s2  }
0xb: {  	[smem:$0x3FB1] =	sst s3  }
0xc: {  	[smem:$0x3FB2] =	sst s4  }
0xd: {  	[smem:$0x3FB3] =	sst s5  }
0xe: {  	[smem:$0x3FB4] =	sst s6  }
0xf: {  	[smem:$0x3FB5] =	sst s7  }
0x10: {  	[smem:$0x3FB6] =	sst s8  }
0x11: {  	[smem:$0x3FB7] =	sst s9;
	s0 =	simm.s32 @!p0 $0x0  }
0x12: {  	s1 =	sld [smem:$0x3F9D];
	s0 =	simm.s32 @p0 $0x1  }
0x13: {  	[smem:$0x3FB8] =	sst s0;
	s0 =	simm.s32 @!p1 $0x0  }
0x14: {  	s2 =	sld [smem:$0x3F9C];
	s0 =	simm.s32 @p1 $0x1  }
0x15: {  	[smem:$0x3FB9] =	sst s0;
	s0 =	simm.s32 @!p2 $0x0  }
0x16: {  	s3 =	sld [smem:$0x3FDB];
	s0 =	simm.s32 @p2 $0x1  }
0x17: {  	s4 =	simm.s32 $0x1BF5;
	[smem:$0x3FBB] =	sst s0  }
0x18: {  	s0 =	sld [smem:$0x3F9E];
	_ =	swait.ge [sflag:s4], $0x0  }
0x19: {  	s7 =	sld [smem:$0x3F9F]  }
0x1a: {  	s8 =	sadd.s32 $0xFFFFE003, lr  }
0x1b: {  	s9 =	sadd.s32 $0xFFFFFEF7, lr;
	s5 =	simm.s32 $0xFFFFFFFF;
	p2 =	slt.u32 s8, $0xFFFFF086  }
0x1c: {  	p1 =	slt.u32 s9, $0xF7A;
	s5 =	simm.s32 @!p2 $0x0  }
0x1d: {  	s5 =	simm.s32 @p1 $0x1;
	p0 =	seq.s32 s7, s2  }
0x1e: {  	s7 =	smul.u32 @!p0 $0xF7A, s2;
	p2 =	seq.s32 @!p0 s5, $0x0  }
0x1f: {  	s9 =	smul.u32 $0xF7A, s1;
	s8 =	simm.s32 @!p0 $0x1BF5;
	p2 =	por !p2, p0  }
0x20: {  	[sflag:s8] =	ssyncset.s32 @!p0 $0xFFFFF086;
	s6 =	sadd.s32 @!p0 s3, s7;
	s7 =	simm.s32 @!p0 $0x108  }
0x21: {  	s3 =	sadd.s32 s3, s9;
	s6 =	sadd.s32 @!p0 $0x88, s6;
	s7 =	simm.s32 @p2 $0x1082  }
0x22: {  	[simem:s7], [sflag:s8] =	dma.local @!p0 [hbm:s6], $0xF7A  }
0x23: {  	s9 =	sor.u32 $0xD0000000, s2;
	s6 =	simm.s32 $0x108;
	_ =	swait.ge @!p0 [sflag:s8], $0x0  }
0x24: {  	s3 =	sadd.s32 $0x88, s3;
	s6 =	simm.s32 @!p1 $0x1082;
	[sflag:s4] =	ssyncset.s32 $0xFFFFF086  }
0x25: {  	[simem:s6], [sflag:s4] =	dma.local [hbm:s3], $0xF7A  }
0x26: {  	[smem:$0x3F9F] =	sst s1;
	(tag) =	ssettag s2;
	_ =	strace s9  }
0x27: {  	s1 =	sld [smem:$0x3FAF]  }
0x28: {  	s2 =	sld [smem:$0x3FB0]  }
0x29: {  	s4 =	sld [smem:$0x3FB2]  }
0x2a: {  	p0 =	seq.s32 s5, $0x0;
	s5 =	sld [smem:$0x3FB3]  }
0x2b: {  	s6 =	sld [smem:$0x3FB4]  }
0x2c: {  	s7 =	sld [smem:$0x3FB5]  }
0x2d: {  	s3 =	simm.s32 $0x108;
	s8 =	sld [smem:$0x3FB6]  }
0x2e: {  	s3 =	simm.s32 @!p0 $0x1082;
	s9 =	sld [smem:$0x3FB7]  }
0x2f: {  	lr =	sadd.s32 s0, s3;
	s0 =	sld [smem:$0x3FAE]  }
0x30: {  	s3 =	sld [smem:$0x3FB1]  }
0x31: {  	[smem:$0x3FBA] =	sst s10  }
0x32: {  	s10 =	sld [smem:$0x3FB8];
	_ =	sdelay $0x3  }
0x33: {  	p0 =	seq.s32 s10, $0x1;
	s10 =	sld [smem:$0x3FBA];
	_ =	sdelay $0x3  }
0x34: {  	[smem:$0x3FBA] =	sst s10  }
0x35: {  	s10 =	sld [smem:$0x3FB9];
	_ =	sdelay $0x3  }
0x36: {  	p1 =	seq.s32 s10, $0x1;
	s10 =	sld [smem:$0x3FBA];
	_ =	sdelay $0x3  }
0x37: {  	[smem:$0x3FBA] =	sst s10  }
0x38: {  	s10 =	sld [smem:$0x3FBB]  }
0x39: {  	_ = 	snop;
	(pc) =	sbr.ind lr, $3  }
0x3a: {  	_ = 	snop  }
0x3b: {  	_ = 	snop  }
0x3c: {  	p2 =	seq.s32 s10, $0x1;
	s10 =	sld [smem:$0x3FBA]  }
0x3d: {  	_ =	shalt  }
0x3e: {  	_ =	shalt  }
0x3f: {  	_ =	shalt  }
0x40: {  	_ =	shalt  }
0x41: {  	_ =	shalt  }
0x42: {  	_ =	shalt  }
0x43: {  	_ =	shalt  }
0x44: {  	_ =	shalt  }
0x45: {  	_ =	shalt  }
0x46: {  	_ =	shalt  }
0x47: {  	_ =	shalt  }
0x48: {  	_ =	shalt  }
0x49: {  	_ =	shalt  }
0x4a: {  	_ =	shalt  }
0x4b: {  	_ =	shalt  }
0x4c: {  	_ =	shalt  }
0x4d: {  	_ =	shalt  }
0x4e: {  	_ =	shalt  }
0x4f: {  	_ =	shalt  }
0x50: {  	_ =	shalt  }
0x51: {  	_ =	shalt  }
0x52: {  	_ =	shalt  }
0x53: {  	_ =	shalt  }
0x54: {  	_ =	shalt  }
0x55: {  	_ =	shalt  }
0x56: {  	_ =	shalt  }
0x57: {  	_ =	shalt  }
0x58: {  	_ =	shalt  }
0x59: {  	_ =	shalt  }
0x5a: {  	_ =	shalt  }
0x5b: {  	_ =	shalt  }
0x5c: {  	_ =	shalt  }
0x5d: {  	_ =	shalt  }
0x5e: {  	_ =	shalt  }
0x5f: {  	_ =	shalt  }
0x60: {  	_ =	shalt  }
0x61: {  	_ =	shalt  }
0x62: {  	_ =	shalt  }
0x63: {  	_ =	shalt  }
0x64: {  	_ =	shalt  }
0x65: {  	_ =	shalt  }
0x66: {  	_ =	shalt  }
0x67: {  	_ =	shalt  }
0x68: {  	_ =	shalt  }
0x69: {  	_ =	shalt  }
0x6a: {  	_ =	shalt  }
0x6b: {  	_ =	shalt  }
0x6c: {  	_ =	shalt  }
0x6d: {  	_ =	shalt  }
0x6e: {  	_ =	shalt  }
0x6f: {  	_ =	shalt  }
0x70: {  	_ =	shalt  }
0x71: {  	_ =	shalt  }
0x72: {  	_ =	shalt  }
0x73: {  	_ =	shalt  }
0x74: {  	_ =	shalt  }
0x75: {  	_ =	shalt  }
0x76: {  	_ =	shalt  }
0x77: {  	_ =	shalt  }
0x78: {  	_ =	shalt  }
0x79: {  	_ =	shalt  }
0x7a: {  	_ =	shalt  }
0x7b: {  	_ =	shalt  }
0x7c: {  	_ =	shalt  }
0x7d: {  	_ =	shalt  }
0x7e: {  	_ =	shalt  }
0x7f: {  	_ =	shalt  }
0x80: {  	_ =	shalt  }
0x81: {  	_ =	shalt  }
0x82: {  	_ =	shalt  }
0x83: {  	_ =	shalt  }
0x84: {  	_ =	shalt  }
0x85: {  	_ =	shalt  }
0x86: {  	_ =	shalt  }
0x87: {  	_ =	shalt  }
.Lfunc_end0:
.L_simem_size_0:
called_computation_lowered:
.L_overlay_start_0:
0x88: {  	s2 =	sld [smem:$0x3FD9]  }
0x89: {  	s3 =	sld [smem:$0x3FFE];
	_ =	sdelay $0x1  }
0x8a: {  	s1 =	srdreg.scid  }
0x8b: {  	s0 =	sand.u32 $0x1, s1  }
0x8c: {  	s17 =	sshll.u32 s0, $0xA;
	s2 =	sadd.s32 s3, s2  }
0x8d: {  	s2 =	sadd.s32 s2, s17  }
0x8e: {  	[smem:$0x3FC6] =	sst s2  }
0x8f: {  	_ = 	snop  }
0x90: {  	s2 =	sld [smem:$0x3FC9]  }
0x91: {  	s18 =	sld [smem:$0x3FC8];
	(tm) =	ssettm $0x1  }
0x92: {  	s4 =	sld [smem:$0x3FFB];
	_ =	sdelay $0x3  }
0x93: {  	_ =	strace s4  }
0x94: {  	s4 =	sld [smem:$0x3FFC];
	_ =	sdelay $0x3  }
0x95: {  	_ =	strace s4  }
0x96: {  	s4 =	sld [smem:$0x3FFD];
	_ =	sdelay $0x3  }
0x97: {  	_ =	strace s4  }
0x98: {  	_ =	strace $0x8FFFFFFF  }
0x99: {  	s19 =	sld [smem:$0x3FDB];
	_ =	sdelay $0x1  }
0x9a: {  	s5 =	simm.s32 $_scs_section_size  }
0x9b: {  	s6 =	simm.s32 $_size__tile_overlayer_lowered;
	s7 =	simm.s32 $_tile_overlayer_lowered  }
0x9c: {  	s22 =	simm.s32 $0x1BFF;
	s21 =	sshll.u32 s7, $0x1;
	s4 =	sadd.s32 s5, s19  }
0x9d: {  	s8 =	simm.s32 $0x0;
	s20 =	sshll.u32 s6, $0x1;
	s6 =	sadd.s32 s21, s4  }
0x9e: {  	[timem:s8], [sflag:s22] =	dma.local [hbm:s6], s20  }
0x9f: {  	_ =	swait.ge [sflag:s22], s20  }
0xa0: {  	s5 =	ssub.s32 $0x0, s20;
	[sflag:s22] =	ssyncset.done $0x0  }
0xa1: {  	[sflag:s22] =	ssyncadd.s32 s5;
	_ =	sdelay $0x1  }
0xa2: {  	s23 =	simm.s32 $0x1B8B  }
0xa3: {  	_ =	swait.ge [sflag:s23], $0x1  }
0xa4: {  	[sflag:s23] =	ssyncset.done $0x0  }
0xa5: {  	s25 =	simm.s32 $0x1B8E;
	s24 =	sld [smem:$0x3FFE];
	[sflag:s23] =	ssyncadd.s32 $0xFFFFFFFF  }
0xa6: {  	s26 =	simm.s32 $execute0_lowered;
	[smem:$0x3FD2] =	sst s25  }
0xa7: {  	s6 =	sshll.u32 s26, $0x1;
	_ =	strace $0x80000046;
	[dreg:$0x1] =	wrdreg $0xFFFFFFFF  }
0xa8: {  	s28 =	simm.s32 $_size_execute0_lowered;
	s4 =	sadd.s32 s4, s6;
	[dreg:$0x0] =	wrdreg $0x0  }
0xa9: {  	s6 =	sshll.u32 s28, $0x1;
	[dreg:$0x2] =	wrdreg s4  }
0xaa: {  	[dreg:$0x3] =	wrdreg s6  }
0xab: {  	[dreg:$0x4] =	wrdreg $0xC0  }
0xac: {  	_ =	task [dreg:s8], $0x5FFFF  }
0xad: {  	[dreg:$0x1] =	wrdreg $0xFFFFFFFF  }
0xae: {  	[dreg:$0x0] =	wrdreg $0x60  }
0xaf: {  	[dreg:$0x2] =	wrdreg s2  }
0xb0: {  	[dreg:$0x3] =	wrdreg s18  }
0xb1: {  	[dreg:$0x4] =	wrdreg s24  }
0xb2: {  	[dreg:$0x5] =	wrdreg $0x9  }
0xb3: {  	_ =	task.clear_ibuf [dreg:s8], $0x6FFFF;
	_ =	strace $0x90000046  }
0xb4: {  	s29 =	simm.s32 $0x9;
	_ =	strace $0x80000048  }
0xb5: {  	_ =	swait.ge [sflag:s29], $0x1  }
0xb6: {  	[sflag:s29] =	ssyncadd.s32 $0xFFFFFFFF  }
0xb7: {  	_ =	strace $0x90000048  }
0xb8: {  	_ =	sfence  }
0xb9: {  	s30 =	sld [smem:$0x0];
	_ =	sdelay $0x2  }
0xba: {  	s31 =	sshll.u32 s1, $0xD;
	s1 =	sshrl.u32 s1, $0x2  }
0xbb: {  	s3 =	sand.u32 $0x4000, s31;
	s1 =	sadd.s32 s1, s30  }
0xbc: {  	s0 =	sor.u32 s3, s0;
	s1 =	sshll.u32 s1, $0x11  }
0xbd: {  	s0 =	sor.u32 s1, s0  }
0xbe: {  	s0 =	sadd.s32 $0x8F2B, s0  }
0xbf: {  	[sflag:s0] =	ssyncadd.remote.s32 $0x1  }
0xc0: {  	_ =	sfence.sel $0xFFFF  }
0xc1: {  	[dreg:$0x0] =	wrdreg $0xFFFFFFFF;
	(pc) =	sbr.abs _section_cstart, $3  }
0xc2: {  	[dreg:$0x1] =	wrdreg $0xFFFFFFFF  }
0xc3: {  	_ =	task.clear_ibuf [dreg:s8], $0x2FFFF;
	_ =	strace $0x9FFFFFFF  }
0xc4: {  	(tm) =	ssettm $0x7FFFFFFF  }
0xc5: {  	_ =	shalt  }
tec
execute0_lowered:
.L_overlay_start_1:
0x0: {  	(tag) =	ssettag $0x1  }
0x1: {  	s0 =	rddreg [dreg:$0x0]  }
0x2: {  	s1 =	rddreg [dreg:$0x1];
	s2 =	srdreg.scid  }
0x3: {  	s5 =	stileid.u32;
	s3 =	rddreg [dreg:$0x2]  }
0x4: {  	s6 =	simm.s32 $0x0;
	s2 =	sand.u32 $0x1, s2;
	s4 =	sshll.u32 s5, $0x1  }
0x5: {  	[smem:$0x7FF] =	sst s6;
	s5 =	sshll.u32 s5, $0x6;
	s4 =	sor.u32 s2, s4  }
0x6: {  	s2 =	ssub.s32 $0x2, s2;
	s24 =	smul.u32 $0x2A, s4;
	s4 =	sshll.u32 s4, $0x4  }
0x7: {  	s5 =	sand.u32 $0x300, s5;
	s25 =	sshrl.u32 s2, $0x1;
	s4 =	sand.u32 $0x70, s4  }
0x8: {  	_ =	strace $0x80000047;
	s2 =	ssub.s32 s2, s25;
	s4 =	sor.u32 s5, s4  }
0x9: {  	s7 =	sand.u32 $0x7F8, s24;
	s31 =	smax.u32 s2, $0x1;
	s3 =	sadd.s32 s4, s3  }
0xa: {  	s7 =	smin.u32 s7, $0x508;
	[dreg:$0x8] =	wrdreg s31;
	s29 =	sadd.s32 $0xC00, s3  }
0xb: {  	v0 =	vlaneseq.u32;
	s26 =	sshll.u32 s7, $0x5;
	s30 =	sadd.s32 $0x1000, s3;
	[dreg:$0x6] =	wrdreg s29  }
0xc: {  	s15 =	simm.s32 $0x3;
	v0 =	vmul.u32 $0x100, v0;
	s0 =	sadd.s32 s0, s26;
	[dreg:$0x7] =	wrdreg s30  }
0xd: {  	s17 =	simm.s32 $0x0;
	s28 =	sadd.s32 s1, s26;
	[dreg:$0x4] =	wrdreg s0  }
0xe: {  	v1 =	vimm.f32 $0.0e+00;
	s18 =	simm.s32 $0x7000;
	v2 =	vor.u32 $0x1, v0;
	s5 =	ssub.s32 s24, s7;
	[dreg:$0x5] =	wrdreg s28  }
.LBB2_1:
0xf: {  	s0 =	simm.s32 $0x0;
	s1 =	rddreg [dreg:$0x4]  }
0x10: {  	[tilespmem:s0], [sflag:$0x1] =	stream.linear.gather [hbm4b:s1+s0], $0x3800, $0x38;
	[tilespmem:$0x9100] =	vst v63  }
0x11: {  	s31 =	rddreg [dreg:$0x5];
	s2 =	simm.s32 $0x3800  }
0x12: {  	[tilespmem:s2], [sflag:$0x2] =	stream.linear.gather [hbm4b:s31+s0], $0x3800, $0x38;
	[tilespmem:$0x9100] =	vst v63  }
0x13: {  	s0 =	simm.s32 $0x7040  }
0x14: {  	[tilespmem:s0+$0x30] =	vst v1  }
0x15: {  	[tilespmem:s0+$0xFFFFFFF0] =	vst v1  }
0x16: {  	[tilespmem:s0+$0xFFFFFFC0] =	vst v1  }
0x17: {  	[tilespmem:s0+$0xFFFFFFE0] =	vst v1  }
0x18: {  	[tilespmem:s0+$0x10] =	vst v1  }
0x19: {  	[tilespmem:s0+$0x20] =	vst v1  }
0x1a: {  	[tilespmem:s0+$0x0] =	vst v1  }
0x1b: {  	s1 =	simm.s32 $0x80C0;
	[tilespmem:s0+$0xFFFFFFD0] =	vst v1  }
0x1c: {  	[tilespmem:s1+$0xFFFFFFC0] =	vst v1  }
0x1d: {  	[tilespmem:s1+$0x30] =	vst v1  }
0x1e: {  	[tilespmem:s1+$0x20] =	vst v1  }
0x1f: {  	[tilespmem:s1+$0x10] =	vst v1  }
0x20: {  	[tilespmem:s1+$0xFFFFFFE0] =	vst v1  }
0x21: {  	[tilespmem:s1+$0x0] =	vst v1  }
0x22: {  	s2 =	simm.s32 $0x0;
	[tilespmem:s1+$0xFFFFFFF0] =	vst v1  }
.LBB2_2:
0x23: {  	s2 =	sadd.s32 $0x80, s2;
	[tilespmem:s1+$0xFFFFFFD0] =	vst v1;
	s0 =	sadd.s32 $0x80, s0;
	s1 =	sadd.s32 $0x80, s1  }
0x24: {  	[tilespmem:s0+$0x30] =	vst v1;
	p0 =	slt.u32 s2, $0xF80  }
0x25: {  	[tilespmem:s0+$0xFFFFFFF0] =	vst v1  }
0x26: {  	[tilespmem:s0+$0xFFFFFFC0] =	vst v1  }
0x27: {  	[tilespmem:s1+$0xFFFFFFC0] =	vst v1  }
0x28: {  	[tilespmem:s1+$0x30] =	vst v1  }
0x29: {  	[tilespmem:s0+$0xFFFFFFE0] =	vst v1  }
0x2a: {  	[tilespmem:s0+$0x10] =	vst v1  }
0x2b: {  	[tilespmem:s0+$0x20] =	vst v1  }
0x2c: {  	[tilespmem:s1+$0x20] =	vst v1  }
0x2d: {  	[tilespmem:s1+$0x10] =	vst v1  }
.Ltmp0:
0x2e: {  	[tilespmem:s1+$0xFFFFFFE0] =	vst v1;
	(pc) =	sbr.rel @p0 .LBB2_2-.Ltmp0, $4  }
0x2f: {  	[tilespmem:s0+$0x0] =	vst v1  }
0x30: {  	[tilespmem:s1+$0x0] =	vst v1  }
0x31: {  	[tilespmem:s1+$0xFFFFFFF0] =	vst v1  }
0x32: {  	[tilespmem:s0+$0xFFFFFFD0] =	vst v1  }
0x33: {  	s0 =	simm.s32 $0x1;
	s4 =	simm.s32 $0x2  }
0x34: {  	[tilespmem:s1+$0xFFFFFFD0] =	vst v1;
	s19 =	sadd.s32 $0x0, s5;
	s20 =	simm.s32 $0x0;
	s3 =	simm.s32 $0x0  }
0x35: {  	p0 =	por $0x0, $0x0;
	s6 =	simm.s32 $0x1;
	s13 =	simm.s32 $0x1;
	[tilespmem:$0x8000] =	vst v1  }
0x36: {  	[tilespmem:$0x9080] =	vst v1;
	s2 =	sshll.u32 s19, $0x8;
	s1 =	sand.u32 $0xFFFFFC00, s20;
	s21 =	sand.u32 $0x7F, s3  }
0x37: {  	s3 =	simm.s32 $0x1;
	s20 =	simm.s32 $0x1;
	_ =	swait.ge [sflag:s0], $0x3800  }
0x38: {  	s2 =	sand.u32 $0xFFFFF800, s2;
	s3 =	simm.s32 @!p0 $0x0;
	[sflag:s0] =	ssyncset.done $0x0  }
0x39: {  	s1 =	sadd.s32 s1, s2;
	s22 =	sadd.s32 $0x0, s3;
	[sflag:s0] =	ssyncadd.s32 $0xFFFFC800  }
0x3a: {  	s0 =	sshll.u32 s19, $0x7;
	s7 =	sadd.s32 s5, s22;
	_ =	swait.ge [sflag:s4], $0x3800  }
0x3b: {  	s0 =	sand.u32 $0x380, s0;
	s8 =	sshll.u32 s7, $0x8;
	s7 =	sshll.u32 s7, $0x7  }
0x3c: {  	[sflag:s4] =	ssyncset.done $0x0;
	s1 =	sor.u32 s0, s1;
	s0 =	simm.s32 $0x10  }
0x3d: {  	s8 =	sand.u32 $0xFFFFF800, s8;
	s7 =	sand.u32 $0x380, s7;
	s0 =	simm.s32 @p0 $0x0  }
0x3e: {  	[sflag:s4] =	ssyncadd.s32 $0xFFFFC800;
	s3 =	sadd.s32 $0x10, s0;
	s23 =	sshll.u32 s0, $0x3  }
0x3f: {  	s2 =	sor.u32 s21, s1;
	p0 =	sgt.s32 s3, $0xDF;
	s4 =	sand.u32 $0xFFFFFC00, s23  }
0x40: {  	s6 =	simm.s32 @!p0 $0x0;
	s3 =	simm.s32 @p0 $0x0;
	s4 =	sadd.s32 s4, s8  }
0x41: {  	s1 =	sadd.s32 s6, s22;
	s24 =	sshll.u32 s3, $0x3;
	s9 =	sadd.s32 $0x10, s3  }
0x42: {  	s4 =	sor.u32 s7, s4;
	s7 =	simm.s32 $0x1;
	s12 =	sadd.s32 s5, s1  }
0x43: {  	s6 =	sand.u32 $0xFFFFFC00, s24;
	p0 =	sgt.s32 s9, $0xDF;
	s24 =	sand.u32 $0x7F, s0  }
0x44: {  	s14 =	sshll.u32 s12, $0x8;
	s13 =	simm.s32 @!p0 $0x0;
	s9 =	simm.s32 @p0 $0x0  }
0x45: {  	s12 =	sshll.u32 s12, $0x7;
	s29 =	sor.u32 s24, s4;
	s1 =	sadd.s32 s13, s1  }
0x46: {  	s25 =	sshll.u32 s9, $0x3;
	s16 =	sadd.s32 $0x10, s9;
	s14 =	sand.u32 $0xFFFFF800, s14  }
0x47: {  	s19 =	sadd.s32 s5, s1;
	p0 =	sgt.s32 s16, $0xDF;
	s13 =	sand.u32 $0xFFFFFC00, s25  }
0x48: {  	v3 =	vld [tilespmem:s2+$0x0];
	s6 =	sadd.s32 s6, s14;
	s14 =	sand.u32 $0x380, s12;
	s25 =	sand.u32 $0x7F, s3  }
0x49: {  	s3 =	simm.s32 $0x1;
	s20 =	simm.s32 @!p0 $0x0;
	s16 =	simm.s32 @p0 $0x0  }
0x4a: {  	s21 =	sshll.u32 s19, $0x8;
	s19 =	sshll.u32 s19, $0x7;
	s6 =	sor.u32 s14, s6  }
0x4b: {  	s22 =	sshll.u32 s16, $0x3;
	s20 =	sadd.s32 s20, s1;
	s26 =	sand.u32 $0xFFFFF800, s21  }
0x4c: {  	s11 =	sand.u32 $0x380, s19;
	s0 =	sor.u32 s25, s6;
	s10 =	sadd.s32 s5, s20  }
0x4d: {  	v3 =	vmul.f32 $2.550000000e+02, v3;
	s22 =	sand.u32 $0xFFFFFC00, s22;
	s1 =	sadd.s32 s13, s26;
	s26 =	sand.u32 $0x7F, s16  }
0x4e: {  	s13 =	simm.s32 $0x1;
	s23 =	sshll.u32 s10, $0x8;
	s21 =	sshll.u32 s10, $0x7  }
0x4f: {  	v4 =	vtrunc.f32 v3;
	s1 =	sor.u32 s11, s1;
	s23 =	sand.u32 $0xFFFFF800, s23;
	s21 =	sand.u32 $0x380, s21  }
0x50: {  	v4 =	vcvt.f32.s32 v4;
	s19 =	sadd.s32 s22, s23;
	s22 =	sand.u32 $0x7F, s9;
	s9 =	sadd.s32 $0x10, s16  }
0x51: {  	s23 =	sor.u32 s21, s19;
	s14 =	sor.u32 s22, s1;
	p0 =	sgt.s32 s9, $0xDF  }
0x52: {  	v5 =	vcvt.s32.f32 v4;
	s1 =	sor.u32 s26, s23;
	s3 =	simm.s32 @!p0 $0x0;
	s9 =	simm.s32 @p0 $0x0  }
0x53: {  	v7 =	vadd.s32 v0, v4;
	s23 =	simm.s32 $0x1;
	s3 =	sadd.s32 s3, s20;
	s12 =	sadd.s32 $0x10, s9  }
0x54: {  	v8 =	vld [tilespmem:s0+$0x0];
	v4 =	vadd.s32 v2, v4;
	v3 =	vsub.f32 v3, v5;
	s8 =	sshll.u32 s9, $0x3;
	s6 =	sadd.s32 s5, s3;
	p0 =	sgt.s32 s12, $0xDF  }
0x55: {  	v5 =	vld [tilespmem:s29+$0x0];
	s4 =	sand.u32 $0xFFFFFC00, s8;
	s7 =	simm.s32 @!p0 $0x0;
	s12 =	simm.s32 @p0 $0x0  }
0x56: {  	v10 =	vsub.f32 $1.000000000e+00, v3;
	v6 =	vld [tilespmem:s14+$0x0];
	s8 =	sshll.u32 s6, $0x8;
	s3 =	sadd.s32 s7, s3;
	s16 =	sadd.s32 $0x10, s12  }
0x57: {  	v9 =	vld [tilespmem:s1+$0x0];
	s10 =	sshll.u32 s12, $0x3;
	s8 =	sand.u32 $0xFFFFF800, s8;
	p0 =	sgt.s32 s16, $0xDF  }
0x58: {  	[tilespmem:v7+s18+$0x0] =	vst.idx.add.f32.msk $0xffff, v10;
	s11 =	sadd.s32 s5, s3;
	s7 =	sand.u32 $0xFFFFFC00, s10;
	s10 =	sshll.u32 s6, $0x7  }
0x59: {  	[tilespmem:v4+s18+$0x0] =	vst.idx.add.f32.msk $0xffff, v3;
	s4 =	sadd.s32 s4, s8;
	s13 =	simm.s32 @!p0 $0x0;
	s22 =	sshll.u32 s11, $0x8  }
0x5a: {  	v4 =	vmul.f32 $2.550000000e+02, v5;
	v5 =	vld [tilespmem:s2+$0x3800];
	s16 =	simm.s32 @p0 $0x0;
	s19 =	sshll.u32 s11, $0x7;
	s2 =	sand.u32 $0x380, s10  }
0x5b: {  	s3 =	sadd.s32 s13, s3;
	s25 =	sshll.u32 s16, $0x3;
	s13 =	sadd.s32 $0x10, s16  }
0x5c: {  	s20 =	sand.u32 $0xFFFFF800, s22;
	s2 =	sor.u32 s2, s4;
	s26 =	sadd.s32 s5, s3  }
0x5d: {  	v3 =	vmul.f32 $2.550000000e+02, v8;
	s21 =	sand.u32 $0xFFFFFC00, s25;
	p0 =	sgt.s32 s13, $0xDF;
	s7 =	sadd.s32 s7, s20  }
0x5e: {  	v10 =	vtrunc.f32 v4;
	v6 =	vmul.f32 $2.550000000e+02, v6;
	s20 =	sand.u32 $0x7F, s16;
	s24 =	sshll.u32 s26, $0x8;
	s23 =	simm.s32 @!p0 $0x0  }
0x5f: {  	v10 =	vcvt.f32.s32 v10;
	v8 =	vmul.f32 $2.550000000e+02, v9;
	s13 =	simm.s32 @p0 $0x0;
	s22 =	sshll.u32 s26, $0x7;
	s3 =	sadd.s32 s23, s3  }
0x60: {  	v9 =	vtrunc.f32 v3;
	v7 =	vtrunc.f32 v6;
	s25 =	sshll.u32 s13, $0x3;
	s24 =	sand.u32 $0xFFFFF800, s24;
	s23 =	sadd.s32 s5, s3  }
0x61: {  	v9 =	vcvt.f32.s32 v9;
	v7 =	vcvt.f32.s32 v7;
	s25 =	sand.u32 $0xFFFFFC00, s25;
	s21 =	sadd.s32 s21, s24;
	s26 =	sshll.u32 s23, $0x8  }
0x62: {  	v16 =	vcvt.s32.f32 v10;
	v11 =	vtrunc.f32 v8;
	s24 =	sand.u32 $0x380, s22;
	s23 =	sshll.u32 s23, $0x7;
	s11 =	sand.u32 $0xFFFFF800, s26  }
0x63: {  	v5 =	vmul.f32 $2.550000000e+02, v5;
	v13 =	vcvt.s32.f32 v7;
	s26 =	sand.u32 $0x380, s19;
	s6 =	sadd.s32 s25, s11;
	s11 =	sor.u32 s24, s21  }
0x64: {  	v11 =	vcvt.f32.s32 v11;
	v14 =	vcvt.s32.f32 v9;
	s7 =	sor.u32 s26, s7;
	s21 =	sand.u32 $0x7F, s12;
	s19 =	sor.u32 s20, s11  }
0x65: {  	v17 =	vadd.s32 v0, v9;
	v12 =	vadd.s32 v0, v7;
	v6 =	vsub.f32 v6, v13;
	s10 =	sand.u32 $0x380, s23;
	s25 =	sand.u32 $0x7F, s9;
	s22 =	sor.u32 s21, s7;
	v13 =	vld [tilespmem:s19+$0x0]  }
0x66: {  	v15 =	vcvt.s32.f32 v11;
	v14 =	vsub.f32 v3, v14;
	v3 =	vtrunc.f32 v5;
	s26 =	sand.u32 $0x7F, s13;
	s23 =	sor.u32 s10, s6;
	s21 =	sor.u32 s25, s2;
	v18 =	vld [tilespmem:s22+$0x0]  }
0x67: {  	v4 =	vsub.f32 v4, v16;
	v7 =	vadd.s32 v2, v7;
	v20 =	vcvt.f32.s32 v3;
	s23 =	sor.u32 s26, s23;
	v21 =	vld [tilespmem:s21+$0x0]  }
0x68: {  	s4 =	simm.s32 $0x1;
	v8 =	vsub.f32 v8, v15;
	v15 =	vadd.s32 v0, v10;
	v3 =	vsub.f32 $1.000000000e+00, v14;
	s24 =	sadd.s32 $0x10, s13;
	v16 =	vld [tilespmem:s23+$0x0]  }
0x69: {  	v9 =	vadd.s32 v2, v9;
	v19 =	vsub.f32 $1.000000000e+00, v6;
	p0 =	sgt.s32 s24, $0xDF;
	s2 =	simm.s32 $0x1;
	s25 =	simm.s32 $0xC  }
0x6a: {  	v22 =	vsub.f32 $1.000000000e+00, v4;
	v10 =	vadd.s32 v2, v10;
	s20 =	simm.s32 $0x8080;
	[tilespmem:v17+s18+$0x0] =	vst.idx.add.f32.msk $0xffff, v3;
	s2 =	simm.s32 @!p0 $0x0;
	s24 =	simm.s32 @p0 $0x0  }
0x6b: {  	v24 =	vadd.s32 v0, v20;
	s6 =	simm.s32 $0x1;
	[tilespmem:v12+s18+$0x0] =	vst.idx.add.f32.msk $0xffff, v19;
	v12 =	vcvt.s32.f32 v20;
	v19 =	vadd.s32 v0, v11;
	s2 =	sadd.s32 s2, s3;
	s26 =	sadd.s32 $0x10, s24  }
0x6c: {  	[tilespmem:v7+s18+$0x0] =	vst.idx.add.f32.msk $0xffff, v6;
	s7 =	sshll.u32 s24, $0x3;
	v6 =	vadd.s32 v2, v11;
	s3 =	simm.s32 $0x1;
	p0 =	sgt.s32 s26, $0xDF;
	v23 =	vmul.f32 $2.550000000e+02, v13;
	v11 =	vmul.f32 $2.550000000e+02, v18  }
0x6d: {  	s9 =	sadd.s32 s5, s2;
	v3 =	vsub.f32 v5, v12;
	s30 =	sand.u32 $0xFFFFFC00, s7;
	[tilespmem:v15+s18+$0x0] =	vst.idx.add.f32.msk $0xffff, v22;
	s26 =	simm.s32 @p0 $0x0;
	v18 =	vmul.f32 $2.550000000e+02, v21;
	v15 =	vmul.f32 $2.550000000e+02, v16  }
0x6e: {  	[tilespmem:v9+s18+$0x0] =	vst.idx.add.f32.msk $0xffff, v14;
	v5 =	vsub.f32 $1.000000000e+00, v8;
	s16 =	sshll.u32 s9, $0x8;
	s3 =	simm.s32 @!p0 $0x0;
	s31 =	sadd.s32 $0x10, s26;
	v7 =	vtrunc.f32 v23;
	v9 =	vtrunc.f32 v11  }
0x6f: {  	[tilespmem:v10+s18+$0x0] =	vst.idx.add.f32.msk $0xffff, v4;
	v22 =	vsub.f32 $1.000000000e+00, v3;
	s3 =	sadd.s32 s3, s2;
	s8 =	sshll.u32 s26, $0x3;
	p0 =	sgt.s32 s31, $0xDF;
	v4 =	vtrunc.f32 v18;
	v7 =	vcvt.f32.s32 v7  }
0x70: {  	s12 =	sadd.s32 s5, s3;
	[tilespmem:v19+s18+$0x0] =	vst.idx.add.f32.msk $0xffff, v5;
	v5 =	vadd.s32 v2, v20;
	s2 =	sand.u32 $0xFFFFFC00, s8;
	s4 =	simm.s32 @!p0 $0x0;
	v10 =	vtrunc.f32 v15;
	v9 =	vcvt.f32.s32 v9  }
0x71: {  	s31 =	simm.s32 @p0 $0x0;
	[tilespmem:v6+s18+$0x0] =	vst.idx.add.f32.msk $0xffff, v8;
	s7 =	sshll.u32 s12, $0x8;
	s3 =	sadd.s32 s4, s3;
	v20 =	vcvt.f32.s32 v4;
	v10 =	vcvt.f32.s32 v10;
	v12 =	vadd.s32 v0, v7  }
0x72: {  	v6 =	vld [tilespmem:s29+$0x3800];
	s28 =	sadd.s32 $0x10, s31;
	s10 =	sshll.u32 s31, $0x3;
	s7 =	sand.u32 $0xFFFFF800, s7;
	v8 =	vcvt.s32.f32 v9;
	v19 =	vcvt.s32.f32 v7;
	v13 =	vadd.s32 v2, v7  }
0x73: {  	v4 =	vld [tilespmem:s14+$0x3800];
	p0 =	sgt.s32 s28, $0xDF;
	s11 =	sadd.s32 s5, s3;
	s14 =	sand.u32 $0xFFFFFC00, s10;
	v25 =	vcvt.s32.f32 v20;
	v16 =	vadd.s32 v0, v9;
	v21 =	vcvt.s32.f32 v10  }
0x74: {  	s6 =	simm.s32 @!p0 $0x0;
	s13 =	sshll.u32 s11, $0x8;
	s28 =	simm.s32 @p0 $0x0;
	v7 =	vld [tilespmem:s0+$0x3800];
	v17 =	vadd.s32 v2, v9;
	v14 =	vsub.f32 v11, v8;
	v19 =	vsub.f32 v23, v19  }
0x75: {  	s4 =	sshll.u32 s11, $0x7;
	s29 =	sadd.s32 s6, s3;
	v9 =	vld [tilespmem:s1+$0x3800];
	s6 =	sshll.u32 s28, $0x3;
	v11 =	vsub.f32 v18, v25;
	v18 =	vadd.s32 v0, v20;
	v8 =	vsub.f32 v15, v21  }
0x76: {  	[tilespmem:v24+s20+$0x0] =	vst.idx.add.f32.msk $0xffff, v22;
	s3 =	sand.u32 $0xFFFFF800, s13;
	s1 =	simm.s32 $0x7000;
	s8 =	sadd.s32 s5, s29;
	v15 =	vadd.s32 v2, v20;
	v20 =	vsub.f32 $1.000000000e+00, v14;
	v21 =	vsub.f32 $1.000000000e+00, v19  }
.LBB2_4:
0x77: {  	s25 =	sadd.s32 $0x4, s25;
	s10 =	sshll.u32 s8, $0x8;
	s11 =	sshll.u32 s12, $0x7  }
0x78: {  	v22 =	vadd.s32 v0, v10;
	v23 =	vsub.f32 $1.000000000e+00, v8;
	v24 =	vsub.f32 $1.000000000e+00, v11;
	[tilespmem:v5+s20+$0x0] =	vst.idx.add.f32.msk $0xffff, v3;
	s12 =	smov.u32 s22;
	s13 =	smov.u32 s19;
	s0 =	smov.u32 s23  }
0x79: {  	v3 =	vadd.s32 v2, v10;
	s16 =	sand.u32 $0xFFFFF800, s16;
	s9 =	sshll.u32 s9, $0x7;
	v5 =	vmul.f32 $2.550000000e+02, v7;
	v4 =	vmul.f32 $2.550000000e+02, v4;
	p0 =	slt.u32 s25, $0x248;
	[tilespmem:v12+s1+$0x0] =	vst.idx.add.f32.msk $0xffff, v21  }
0x7a: {  	s6 =	sand.u32 $0xFFFFFC00, s6;
	s8 =	sshll.u32 s8, $0x7;
	v7 =	vmul.f32 $2.550000000e+02, v9;
	v6 =	vmul.f32 $2.550000000e+02, v6;
	s10 =	sand.u32 $0xFFFFF800, s10;
	[tilespmem:v13+s1+$0x0] =	vst.idx.add.f32.msk $0xffff, v19  }
0x7b: {  	s2 =	sadd.s32 s2, s7;
	s3 =	sadd.s32 s14, s3;
	s4 =	sand.u32 $0x380, s4;
	v9 =	vtrunc.f32 v5;
	v10 =	vtrunc.f32 v4;
	[tilespmem:v16+s1+$0x0] =	vst.idx.add.f32.msk $0xffff, v20  }
0x7c: {  	s7 =	sadd.s32 s30, s16;
	s9 =	sand.u32 $0x380, s9;
	s11 =	sand.u32 $0x380, s11;
	v12 =	vtrunc.f32 v7;
	v13 =	vtrunc.f32 v6;
	[tilespmem:v17+s1+$0x0] =	vst.idx.add.f32.msk $0xffff, v14  }
0x7d: {  	s8 =	sand.u32 $0x380, s8;
	s3 =	sor.u32 s4, s3;
	s6 =	sadd.s32 s6, s10;
	v9 =	vcvt.f32.s32 v9;
	v10 =	vcvt.f32.s32 v10;
	[tilespmem:v18+s1+$0x0] =	vst.idx.add.f32.msk $0xffff, v24  }
0x7e: {  	s4 =	sor.u32 s9, s7;
	s2 =	sor.u32 s11, s2;
	s7 =	sand.u32 $0x7F, s31;
	v12 =	vcvt.f32.s32 v12;
	[tilespmem:v15+s1+$0x0] =	vst.idx.add.f32.msk $0xffff, v11;
	v11 =	vcvt.f32.s32 v13  }
0x7f: {  	v14 =	vcvt.s32.f32 v10;
	s1 =	sor.u32 s8, s6;
	s6 =	sand.u32 $0x7F, s24;
	s8 =	sand.u32 $0x7F, s26;
	v13 =	vcvt.s32.f32 v9;
	v15 =	vadd.s32 v0, v10;
	[tilespmem:v22+s18+$0x0] =	vst.idx.add.f32.msk $0xffff, v23  }
0x80: {  	s9 =	sand.u32 $0x7F, s28;
	s19 =	sor.u32 s7, s3;
	v10 =	vadd.s32 v2, v10;
	s22 =	sor.u32 s8, s2;
	[tilespmem:v3+s18+$0x0] =	vst.idx.add.f32.msk $0xffff, v8;
	v3 =	vcvt.s32.f32 v12;
	v8 =	vcvt.s32.f32 v11  }
0x81: {  	v17 =	vadd.s32 v0, v9;
	s23 =	sor.u32 s9, s1;
	v14 =	vsub.f32 v4, v14;
	s2 =	smov.u32 s21;
	s21 =	sor.u32 s6, s4;
	v13 =	vsub.f32 v5, v13;
	v16 =	vld [tilespmem:s19+$0x0]  }
0x82: {  	s3 =	smov.u32 s20;
	v19 =	vadd.s32 v2, v9;
	s1 =	smov.u32 s18;
	v18 =	vld [tilespmem:s22+$0x0];
	v3 =	vsub.f32 v7, v3;
	v8 =	vsub.f32 v6, v8  }
0x83: {  	s24 =	sadd.s32 $0x10, s28;
	v21 =	vadd.s32 v0, v11;
	v23 =	vsub.f32 $1.000000000e+00, v14;
	v22 =	vsub.f32 $1.000000000e+00, v13;
	v20 =	vld [tilespmem:s21+$0x0]  }
0x84: {  	p1 =	sgt.s32 s24, $0xDF;
	s4 =	simm.s32 $0x1;
	v11 =	vadd.s32 v2, v11;
	v24 =	vld [tilespmem:s23+$0x0];
	v25 =	vsub.f32 $1.000000000e+00, v3;
	v26 =	vsub.f32 $1.000000000e+00, v8  }
0x85: {  	s7 =	simm.s32 $0x1;
	v27 =	vadd.s32 v0, v12;
	v5 =	vadd.s32 v2, v12;
	s4 =	simm.s32 @!p1 $0x0;
	s24 =	simm.s32 @p1 $0x0;
	v4 =	vld [tilespmem:s13+$0x3800]  }
0x86: {  	s4 =	sadd.s32 s4, s29;
	s6 =	sshll.u32 s24, $0x3;
	s26 =	sadd.s32 $0x10, s24;
	v28 =	vmul.f32 $2.550000000e+02, v16;
	v7 =	vld [tilespmem:s12+$0x3800]  }
0x87: {  	s9 =	sadd.s32 s5, s4;
	s30 =	sand.u32 $0xFFFFFC00, s6;
	p1 =	sgt.s32 s26, $0xDF;
	v18 =	vmul.f32 $2.550000000e+02, v18;
	v6 =	vld [tilespmem:s2+$0x3800]  }
0x88: {  	s6 =	simm.s32 $0x1;
	s26 =	simm.s32 @p1 $0x0;
	v9 =	vld [tilespmem:s0+$0x3800];
	v20 =	vmul.f32 $2.550000000e+02, v20;
	v12 =	vtrunc.f32 v28;
	s0 =	simm.s32 $0x1  }
0x89: {  	s16 =	sshll.u32 s9, $0x8;
	s31 =	sadd.s32 $0x10, s26;
	v24 =	vmul.f32 $2.550000000e+02, v24;
	s0 =	simm.s32 @!p1 $0x0;
	v16 =	vtrunc.f32 v18;
	[tilespmem:v15+s3+$0x0] =	vst.idx.add.f32.msk $0xffff, v23  }
0x8a: {  	s2 =	sshll.u32 s26, $0x3;
	v23 =	vcvt.f32.s32 v12;
	p1 =	sgt.s32 s31, $0xDF;
	s0 =	sadd.s32 s0, s4;
	v15 =	vtrunc.f32 v20;
	[tilespmem:v10+s3+$0x0] =	vst.idx.add.f32.msk $0xffff, v14  }
0x8b: {  	s2 =	sand.u32 $0xFFFFFC00, s2;
	v29 =	vcvt.f32.s32 v16;
	s6 =	simm.s32 @!p1 $0x0;
	v10 =	vtrunc.f32 v24;
	s12 =	sadd.s32 s5, s0;
	[tilespmem:v17+s3+$0x0] =	vst.idx.add.f32.msk $0xffff, v22  }
0x8c: {  	s31 =	simm.s32 @p1 $0x0;
	v15 =	vcvt.f32.s32 v15;
	v12 =	vadd.s32 v0, v23;
	s0 =	sadd.s32 s6, s0;
	v10 =	vcvt.f32.s32 v10;
	s4 =	sshll.u32 s12, $0x8;
	[tilespmem:v19+s3+$0x0] =	vst.idx.add.f32.msk $0xffff, v13  }
.Ltmp1:
0x8d: {  	s6 =	sshll.u32 s31, $0x3;
	s28 =	sadd.s32 $0x10, s31;
	v14 =	vcvt.s32.f32 v29;
	v19 =	vcvt.s32.f32 v23;
	v13 =	vadd.s32 v2, v23;
	[tilespmem:v21+s3+$0x0] =	vst.idx.add.f32.msk $0xffff, v26;
	(pc) =	sbr.rel @p0 .LBB2_4-.Ltmp1, $4  }
0x8e: {  	s10 =	sadd.s32 s5, s0;
	s14 =	sand.u32 $0xFFFFFC00, s6;
	p1 =	sgt.s32 s28, $0xDF;
	v16 =	vadd.s32 v0, v29;
	v22 =	vcvt.s32.f32 v15;
	v21 =	vcvt.s32.f32 v10;
	[tilespmem:v11+s3+$0x0] =	vst.idx.add.f32.msk $0xffff, v8  }
0x8f: {  	v17 =	vadd.s32 v2, v29;
	s7 =	simm.s32 @!p1 $0x0;
	s28 =	simm.s32 @p1 $0x0;
	s3 =	sshll.u32 s10, $0x8;
	v14 =	vsub.f32 v18, v14;
	v19 =	vsub.f32 v28, v19  }
0x90: {  	s6 =	sshll.u32 s28, $0x3;
	s29 =	sadd.s32 s7, s0;
	v18 =	vadd.s32 v0, v15;
	s3 =	sand.u32 $0xFFFFF800, s3;
	v11 =	vsub.f32 v20, v22;
	v8 =	vsub.f32 v24, v21  }
0x91: {  	s7 =	sand.u32 $0xFFFFF800, s4;
	s4 =	sshll.u32 s10, $0x7;
	v15 =	vadd.s32 v2, v15;
	s8 =	sadd.s32 s5, s29;
	v20 =	vsub.f32 $1.000000000e+00, v14;
	v21 =	vsub.f32 $1.000000000e+00, v19;
	[tilespmem:v27+s20+$0x0] =	vst.idx.add.f32.msk $0xffff, v25  }
0x92: {  	_ =	sdelay $0x3  }
0x93: {  	[tilespmem:v5+s20+$0x0] =	vst.idx.add.f32.msk $0xffff, v3  }
0x94: {  	[tilespmem:v12+s1+$0x0] =	vst.idx.add.f32.msk $0xffff, v21  }
0x95: {  	s0 =	sshll.u32 s8, $0x8;
	s10 =	sshll.u32 s12, $0x7;
	s11 =	sand.u32 $0xFFFFF800, s16;
	[tilespmem:v16+s1+$0x0] =	vst.idx.add.f32.msk $0xffff, v20  }
0x96: {  	v5 =	vsub.f32 $1.000000000e+00, v11;
	s9 =	sshll.u32 s9, $0x7;
	s6 =	sand.u32 $0xFFFFFC00, s6;
	s2 =	sadd.s32 s2, s7;
	[tilespmem:v13+s1+$0x0] =	vst.idx.add.f32.msk $0xffff, v19  }
0x97: {  	s3 =	sadd.s32 s14, s3;
	s4 =	sand.u32 $0x380, s4;
	s14 =	sand.u32 $0x7F, s24;
	[tilespmem:v17+s1+$0x0] =	vst.idx.add.f32.msk $0xffff, v14  }
0x98: {  	s0 =	sand.u32 $0xFFFFF800, s0;
	s30 =	sadd.s32 s30, s11;
	s9 =	sand.u32 $0x380, s9;
	[tilespmem:v18+s1+$0x0] =	vst.idx.add.f32.msk $0xffff, v5  }
0x99: {  	v3 =	vadd.s32 v0, v10;
	s10 =	sand.u32 $0x380, s10;
	s4 =	sor.u32 s4, s3;
	s11 =	sand.u32 $0x7F, s26;
	[tilespmem:v15+s1+$0x0] =	vst.idx.add.f32.msk $0xffff, v11  }
0x9a: {  	v10 =	vadd.s32 v2, v10;
	v7 =	vmul.f32 $2.550000000e+02, v7;
	s7 =	sor.u32 s9, s30;
	s9 =	sand.u32 $0x7F, s31;
	s2 =	sor.u32 s10, s2;
	v34 =	vld [tilespmem:s19+$0x3800]  }
0x9b: {  	v4 =	vmul.f32 $2.550000000e+02, v4;
	v6 =	vmul.f32 $2.550000000e+02, v6;
	s6 =	sadd.s32 s6, s0;
	s0 =	sor.u32 s9, s4;
	s9 =	sor.u32 s11, s2;
	v20 =	vld [tilespmem:s22+$0x3800]  }
0x9c: {  	v59 =	vsub.f32 $1.000000000e+00, v8;
	v9 =	vmul.f32 $2.550000000e+02, v9;
	v5 =	vtrunc.f32 v7;
	s14 =	sor.u32 s14, s7;
	v28 =	vld [tilespmem:s9+$0x0]  }
0x9d: {  	s25 =	sshll.u32 s8, $0x7;
	s13 =	sand.u32 $0x7F, s28;
	v60 =	vtrunc.f32 v4;
	v61 =	vtrunc.f32 v6;
	v33 =	vld [tilespmem:s14+$0x0]  }
0x9e: {  	s8 =	sand.u32 $0x380, s25;
	s3 =	simm.s32 $0x1;
	v11 =	vtrunc.f32 v9;
	s2 =	sadd.s32 $0x10, s28;
	[tilespmem:v3+s18+$0x0] =	vst.idx.add.f32.msk $0xffff, v59;
	v3 =	vcvt.f32.s32 v5  }
0x9f: {  	s10 =	simm.s32 $0x1;
	s12 =	sor.u32 s8, s6;
	p0 =	sgt.s32 s2, $0xDF;
	v5 =	vcvt.f32.s32 v60;
	[tilespmem:v10+s18+$0x0] =	vst.idx.add.f32.msk $0xffff, v8;
	v8 =	vcvt.f32.s32 v11  }
0xa0: {  	s19 =	simm.s32 $0x8080;
	s8 =	simm.s32 $0x1;
	v23 =	vld [tilespmem:s21+$0x3800];
	s2 =	simm.s32 @p0 $0x0;
	v10 =	vcvt.f32.s32 v61;
	v62 =	vcvt.s32.f32 v3  }
0xa1: {  	s1 =	sor.u32 s13, s12;
	s3 =	simm.s32 @!p0 $0x0;
	v11 =	vld [tilespmem:s0+$0x0];
	s12 =	sadd.s32 $0x10, s2;
	v13 =	vcvt.s32.f32 v5;
	v63 =	vadd.s32 v0, v5;
	v5 =	vadd.s32 v2, v5  }
0xa2: {  	v31 =	vld [tilespmem:s1+$0x0];
	s16 =	sadd.s32 s3, s29;
	s22 =	sshll.u32 s2, $0x3;
	v32 =	vadd.s32 v0, v3;
	v3 =	vadd.s32 v2, v3;
	p0 =	sgt.s32 s12, $0xDF;
	v29 =	vcvt.s32.f32 v8  }
0xa3: {  	s24 =	sadd.s32 s5, s16;
	s25 =	sand.u32 $0xFFFFFC00, s22;
	v30 =	vcvt.s32.f32 v10;
	v35 =	vadd.s32 v0, v10;
	s12 =	simm.s32 @p0 $0x0;
	v4 =	vsub.f32 v4, v13  }
0xa4: {  	v10 =	vadd.s32 v2, v10;
	s8 =	simm.s32 @!p0 $0x0;
	v39 =	vadd.s32 v0, v8;
	s26 =	sshll.u32 s24, $0x8;
	s7 =	sshll.u32 s24, $0x7;
	v7 =	vsub.f32 v7, v62  }
0xa5: {  	v47 =	vmul.f32 $2.550000000e+02, v20;
	v15 =	vmul.f32 $2.550000000e+02, v28;
	s3 =	sadd.s32 $0x10, s12;
	s6 =	sadd.s32 s8, s16;
	s28 =	sshll.u32 s12, $0x3;
	v37 =	vsub.f32 $1.000000000e+00, v4  }
0xa6: {  	v25 =	vld [tilespmem:s23+$0x3800];
	v13 =	vmul.f32 $2.550000000e+02, v33;
	s11 =	sand.u32 $0xFFFFF800, s26;
	p0 =	sgt.s32 s3, $0xDF;
	s13 =	sadd.s32 s5, s6;
	v36 =	vsub.f32 $1.000000000e+00, v7;
	v11 =	vmul.f32 $2.550000000e+02, v11  }
0xa7: {  	v49 =	vmul.f32 $2.550000000e+02, v23;
	v6 =	vsub.f32 v6, v30;
	v18 =	vmul.f32 $2.550000000e+02, v31;
	s8 =	sand.u32 $0xFFFFFC00, s28;
	s4 =	sadd.s32 s25, s11;
	s25 =	sand.u32 $0x7F, s12;
	[tilespmem:v63+s20+$0x0] =	vst.idx.add.f32.msk $0xffff, v37  }
0xa8: {  	v9 =	vsub.f32 v9, v29;
	v50 =	vtrunc.f32 v47;
	s10 =	simm.s32 @!p0 $0x0;
	s3 =	simm.s32 @p0 $0x0;
	s29 =	sshll.u32 s13, $0x8;
	v26 =	vtrunc.f32 v11;
	[tilespmem:v32+s20+$0x0] =	vst.idx.add.f32.msk $0xffff, v36  }
0xa9: {  	v40 =	vtrunc.f32 v15;
	s13 =	sshll.u32 s13, $0x7;
	v24 =	vsub.f32 $1.000000000e+00, v6;
	s6 =	sadd.s32 s10, s6;
	s30 =	sshll.u32 s3, $0x3;
	v38 =	vcvt.f32.s32 v26;
	[tilespmem:v5+s20+$0x0] =	vst.idx.add.f32.msk $0xffff, v4  }
0xaa: {  	v42 =	vtrunc.f32 v13;
	v22 =	vsub.f32 $1.000000000e+00, v9;
	s10 =	sand.u32 $0xFFFFF800, s29;
	s24 =	sand.u32 $0x380, s13;
	s6 =	sadd.s32 s5, s6;
	v5 =	vadd.s32 v2, v8;
	[tilespmem:v3+s20+$0x0] =	vst.idx.add.f32.msk $0xffff, v7  }
0xab: {  	v56 =	vtrunc.f32 v49;
	s16 =	sand.u32 $0xFFFFFC00, s30;
	s8 =	sadd.s32 s8, s10;
	[tilespmem:v35+s20+$0x0] =	vst.idx.add.f32.msk $0xffff, v24;
	s31 =	sshll.u32 s6, $0x8;
	v41 =	vcvt.s32.f32 v38  }
0xac: {  	v44 =	vcvt.f32.s32 v42;
	v8 =	vcvt.f32.s32 v40;
	s6 =	sshll.u32 s6, $0x7;
	[tilespmem:v39+s19+$0x0] =	vst.idx.add.f32.msk $0xffff, v22;
	s8 =	sor.u32 s24, s8;
	s22 =	sand.u32 $0xFFFFF800, s31;
	v43 =	vadd.s32 v0, v38  }
0xad: {  	v48 =	vmul.f32 $2.550000000e+02, v25;
	[tilespmem:v10+s20+$0x0] =	vst.idx.add.f32.msk $0xffff, v6;
	s6 =	sand.u32 $0x380, s6;
	s30 =	sor.u32 s25, s8;
	v7 =	vadd.s32 v2, v38;
	s23 =	sadd.s32 s16, s22;
	v11 =	vsub.f32 v11, v41  }
0xae: {  	s3 =	sand.u32 $0x7F, s3;
	v4 =	vtrunc.f32 v18;
	v3 =	vcvt.s32.f32 v8;
	v55 =	vld [tilespmem:s30+$0x0];
	s6 =	sor.u32 s6, s23  }
0xaf: {  	v4 =	vcvt.f32.s32 v4;
	v45 =	vadd.s32 v0, v8;
	s26 =	sor.u32 s3, s6;
	[tilespmem:v5+s19+$0x0] =	vst.idx.add.f32.msk $0xffff, v9;
	v10 =	vsub.f32 $1.000000000e+00, v11  }
0xb0: {  	s7 =	sand.u32 $0x380, s7;
	v46 =	vcvt.s32.f32 v44;
	v3 =	vsub.f32 v15, v3;
	v5 =	vadd.s32 v2, v8;
	v51 =	vld [tilespmem:s26+$0x0]  }
0xb1: {  	s28 =	sor.u32 s7, s4;
	s29 =	sand.u32 $0x7F, s2;
	v54 =	vtrunc.f32 v48;
	v6 =	vcvt.s32.f32 v4;
	[tilespmem:v43+s18+$0x0] =	vst.idx.add.f32.msk $0xffff, v10;
	v10 =	vadd.s32 v0, v44  }
0xb2: {  	s31 =	sor.u32 s29, s28;
	v9 =	vsub.f32 v13, v46;
	v8 =	vsub.f32 $1.000000000e+00, v3;
	[tilespmem:v7+s18+$0x0] =	vst.idx.add.f32.msk $0xffff, v11;
	v7 =	vadd.s32 v2, v44  }
0xb3: {  	v57 =	vld [tilespmem:s31+$0x0];
	v15 =	vcvt.f32.s32 v50;
	v11 =	vmul.f32 $2.550000000e+02, v34  }
0xb4: {  	v6 =	vsub.f32 v18, v6;
	v52 =	vsub.f32 $1.000000000e+00, v9;
	[tilespmem:v45+s18+$0x0] =	vst.idx.add.f32.msk $0xffff, v8;
	v8 =	vadd.s32 v0, v4  }
0xb5: {  	v60 =	vmul.f32 $2.550000000e+02, v55;
	v4 =	vadd.s32 v2, v4;
	[tilespmem:v5+s18+$0x0] =	vst.idx.add.f32.msk $0xffff, v3;
	v53 =	vtrunc.f32 v11  }
0xb6: {  	v59 =	vcvt.s32.f32 v15;
	v62 =	vadd.s32 v0, v15;
	v3 =	vcvt.f32.s32 v53;
	[tilespmem:v10+s18+$0x0] =	vst.idx.add.f32.msk $0xffff, v52  }
0xb7: {  	v58 =	vsub.f32 $1.000000000e+00, v6;
	v27 =	vtrunc.f32 v60;
	[tilespmem:v7+s18+$0x0] =	vst.idx.add.f32.msk $0xffff, v9;
	v9 =	vmul.f32 $2.550000000e+02, v51  }
0xb8: {  	s20 =	simm.s32 $0x7000;
	v15 =	vadd.s32 v2, v15;
	v5 =	vcvt.f32.s32 v54;
	v63 =	vld [tilespmem:s9+$0x3800];
	v7 =	vcvt.s32.f32 v3  }
0xb9: {  	v19 =	vcvt.f32.s32 v27;
	[tilespmem:v8+s20+$0x0] =	vst.idx.add.f32.msk $0xffff, v58;
	v8 =	vadd.s32 v0, v3;
	v61 =	vtrunc.f32 v9  }
0xba: {  	v3 =	vadd.s32 v2, v3;
	[tilespmem:v4+s20+$0x0] =	vst.idx.add.f32.msk $0xffff, v6;
	v7 =	vsub.f32 v11, v7;
	v13 =	vcvt.f32.s32 v61  }
0xbb: {  	v35 =	vcvt.s32.f32 v5;
	v4 =	vsub.f32 v47, v59;
	v6 =	vmul.f32 $2.550000000e+02, v57;
	v30 =	vld [tilespmem:s14+$0x3800]  }
0xbc: {  	v10 =	vcvt.f32.s32 v56;
	v33 =	vld [tilespmem:s1+$0x3800];
	v29 =	vsub.f32 $1.000000000e+00, v7;
	v31 =	vcvt.s32.f32 v13  }
0xbd: {  	v11 =	vld [tilespmem:s0+$0x3800];
	v28 =	vtrunc.f32 v6;
	v32 =	vsub.f32 $1.000000000e+00, v4;
	v34 =	vadd.s32 v0, v13  }
0xbe: {  	v13 =	vadd.s32 v2, v13;
	[tilespmem:v8+s19+$0x0] =	vst.idx.add.f32.msk $0xffff, v29;
	v8 =	vcvt.s32.f32 v19;
	v9 =	vsub.f32 v9, v31  }
0xbf: {  	v36 =	vadd.s32 v2, v19;
	v20 =	vcvt.f32.s32 v28;
	[tilespmem:v3+s19+$0x0] =	vst.idx.add.f32.msk $0xffff, v7;
	v7 =	vadd.s32 v0, v19  }
0xc0: {  	v38 =	vcvt.s32.f32 v10;
	[tilespmem:v62+s19+$0x0] =	vst.idx.add.f32.msk $0xffff, v32;
	v8 =	vsub.f32 v60, v8;
	v37 =	vsub.f32 $1.000000000e+00, v9  }
0xc1: {  	v12 =	vsub.f32 v48, v35;
	[tilespmem:v15+s19+$0x0] =	vst.idx.add.f32.msk $0xffff, v4;
	v41 =	vmul.f32 $2.550000000e+02, v33;
	v3 =	vcvt.s32.f32 v20  }
0xc2: {  	v18 =	vmul.f32 $2.550000000e+02, v63;
	v4 =	vadd.s32 v0, v20;
	v39 =	vsub.f32 $1.000000000e+00, v8;
	[tilespmem:v34+s20+$0x0] =	vst.idx.add.f32.msk $0xffff, v37  }
0xc3: {  	v45 =	vtrunc.f32 v41;
	v3 =	vsub.f32 v6, v3;
	v6 =	vadd.s32 v2, v20;
	[tilespmem:v13+s20+$0x0] =	vst.idx.add.f32.msk $0xffff, v9  }
0xc4: {  	v14 =	vsub.f32 v49, v38;
	v11 =	vmul.f32 $2.550000000e+02, v11;
	v46 =	vcvt.f32.s32 v45;
	[tilespmem:v7+s20+$0x0] =	vst.idx.add.f32.msk $0xffff, v39  }
0xc5: {  	v43 =	vtrunc.f32 v18;
	v42 =	vmul.f32 $2.550000000e+02, v30;
	v9 =	vsub.f32 $1.000000000e+00, v3;
	[tilespmem:v36+s20+$0x0] =	vst.idx.add.f32.msk $0xffff, v8  }
0xc6: {  	v40 =	vadd.s32 v0, v10;
	v44 =	vtrunc.f32 v11;
	v52 =	vcvt.s32.f32 v46;
	v47 =	vld [tilespmem:s26+$0x3800]  }
0xc7: {  	v60 =	vadd.s32 v0, v46;
	v16 =	vadd.s32 v2, v46;
	v8 =	vsub.f32 $1.000000000e+00, v14;
	[tilespmem:v4+s20+$0x0] =	vst.idx.add.f32.msk $0xffff, v9  }
0xc8: {  	v4 =	vadd.s32 v2, v10;
	v9 =	vtrunc.f32 v42;
	[tilespmem:v6+s20+$0x0] =	vst.idx.add.f32.msk $0xffff, v3;
	v6 =	vcvt.f32.s32 v44  }
0xc9: {  	v10 =	vcvt.f32.s32 v43;
	v49 =	vld [tilespmem:s30+$0x3800];
	v3 =	vadd.s32 v0, v5;
	v9 =	vcvt.f32.s32 v9  }
0xca: {  	v7 =	vsub.f32 $1.000000000e+00, v12;
	v5 =	vadd.s32 v2, v5;
	v53 =	vld [tilespmem:s31+$0x3800];
	v50 =	vcvt.s32.f32 v6  }
0xcb: {  	[tilespmem:v40+s19+$0x0] =	vst.idx.add.f32.msk $0xffff, v8;
	v48 =	vcvt.s32.f32 v10;
	v51 =	vadd.s32 v0, v6;
	v8 =	vcvt.s32.f32 v9  }
0xcc: {  	v55 =	vadd.s32 v0, v10;
	v6 =	vadd.s32 v2, v6;
	v11 =	vsub.f32 v11, v50  }
0xcd: {  	[tilespmem:v4+s19+$0x0] =	vst.idx.add.f32.msk $0xffff, v14;
	v4 =	vsub.f32 v42, v8;
	v8 =	vadd.s32 v2, v10;
	v10 =	vmul.f32 $2.550000000e+02, v47  }
0xce: {  	v54 =	vsub.f32 v18, v48;
	v56 =	vmul.f32 $2.550000000e+02, v49;
	[tilespmem:v3+s19+$0x0] =	vst.idx.add.f32.msk $0xffff, v7;
	v7 =	vsub.f32 $1.000000000e+00, v11  }
0xcf: {  	v3 =	vadd.s32 v0, v9;
	[tilespmem:v5+s19+$0x0] =	vst.idx.add.f32.msk $0xffff, v12;
	v57 =	vmul.f32 $2.550000000e+02, v53;
	v58 =	vtrunc.f32 v10  }
0xd0: {  	v9 =	vadd.s32 v2, v9;
	v5 =	vsub.f32 $1.000000000e+00, v54;
	[tilespmem:v51+s19+$0x0] =	vst.idx.add.f32.msk $0xffff, v7;
	v7 =	vcvt.f32.s32 v58  }
0xd1: {  	v13 =	vsub.f32 v41, v52;
	[tilespmem:v6+s19+$0x0] =	vst.idx.add.f32.msk $0xffff, v11;
	v6 =	vtrunc.f32 v56;
	v11 =	vtrunc.f32 v57  }
0xd2: {  	v59 =	vsub.f32 $1.000000000e+00, v4;
	[tilespmem:v55+s19+$0x0] =	vst.idx.add.f32.msk $0xffff, v5;
	v5 =	vcvt.f32.s32 v6;
	v6 =	vcvt.s32.f32 v7  }
0xd3: {  	v61 =	vsub.f32 $1.000000000e+00, v13;
	[tilespmem:v8+s19+$0x0] =	vst.idx.add.f32.msk $0xffff, v54;
	v8 =	vcvt.f32.s32 v11;
	v11 =	vadd.s32 v0, v7  }
0xd4: {  	[tilespmem:v3+s19+$0x0] =	vst.idx.add.f32.msk $0xffff, v59;
	v7 =	vadd.s32 v2, v7;
	v3 =	vcvt.s32.f32 v5;
	v6 =	vsub.f32 v10, v6  }
0xd5: {  	[tilespmem:v9+s19+$0x0] =	vst.idx.add.f32.msk $0xffff, v4;
	v4 =	vcvt.s32.f32 v8;
	v9 =	vadd.s32 v0, v5  }
0xd6: {  	[tilespmem:v60+s19+$0x0] =	vst.idx.add.f32.msk $0xffff, v61;
	v5 =	vadd.s32 v2, v5;
	v3 =	vsub.f32 v56, v3;
	v10 =	vsub.f32 $1.000000000e+00, v6  }
0xd7: {  	[tilespmem:v16+s19+$0x0] =	vst.idx.add.f32.msk $0xffff, v13;
	v62 =	vadd.s32 v0, v8  }
0xd8: {  	v8 =	vadd.s32 v2, v8;
	v4 =	vsub.f32 v57, v4;
	v63 =	vsub.f32 $1.000000000e+00, v3;
	[tilespmem:v11+s19+$0x0] =	vst.idx.add.f32.msk $0xffff, v10  }
0xd9: {  	[tilespmem:v7+s19+$0x0] =	vst.idx.add.f32.msk $0xffff, v6  }
0xda: {  	v6 =	vsub.f32 $1.000000000e+00, v4;
	[tilespmem:v9+s19+$0x0] =	vst.idx.add.f32.msk $0xffff, v63  }
0xdb: {  	[tilespmem:v5+s19+$0x0] =	vst.idx.add.f32.msk $0xffff, v3  }
0xdc: {  	[tilespmem:v62+s19+$0x0] =	vst.idx.add.f32.msk $0xffff, v6  }
0xdd: {  	[tilespmem:v8+s19+$0x0] =	vst.idx.add.f32.msk $0xffff, v4  }
0xde: {  	v4 =	vld [tilespmem:s20+$0x10]  }
0xdf: {  	p1 =	por $0x1, $0x1;
	v5 =	vld [tilespmem:s20+$0x810]  }
.Ltmp2:
0xe0: {  	_ = 	snop;
	(pc) =	sbr.rel @!p1 .LBB2_6-.Ltmp2, $3  }
0xe1: {  	_ =	sdelay $0x1  }
0xe2: {  	v3 =	vld [tilespmem:s20+$0x800]  }
0xe3: {  	p0 =	por $0x0, $0x0;
	s0 =	simm.s32 $0x7020;
	v6 =	vld [tilespmem:s20+$0x0];
	v9 =	vadd.f32 v5, v4  }
0xe4: {  	_ = 	snop  }
0xe5: {  	v8 =	vld [tilespmem:s0+$0x10]  }
0xe6: {  	v10 =	vld [tilespmem:s0+$0x810];
	[tilespmem:s20+$0x10] =	vst v9  }
0xe7: {  	p2 =	por $0x1, $0x1;
	v4 =	vld [tilespmem:s19+$0x10]  }
.Ltmp3:
0xe8: {  	v5 =	vld [tilespmem:s19+$0x810];
	v6 =	vadd.f32 v3, v6;
	(pc) =	sbr.rel @!p2 .LBB2_8-.Ltmp3, $4  }
0xe9: {  	v3 =	vld [tilespmem:s0+$0x800]  }
0xea: {  	[tilespmem:s20+$0x0] =	vst v6;
	v6 =	vld [tilespmem:s0+$0x0]  }
0xeb: {  	s4 =	simm.s32 $0x20;
	s6 =	simm.s32 $0x7040;
	p1 =	por $0x1, $0x1;
	v7 =	vld [tilespmem:s19+$0x0]  }
0xec: {  	s2 =	simm.s32 $0x7020;
	s3 =	simm.s32 $0x8080;
	s1 =	simm.s32 $0x8080;
	v9 =	vadd.f32 v10, v8;
	v8 =	vld [tilespmem:s19+$0x800]  }
.LBB2_9:
0xed: {  	v10 =	vld [tilespmem:s6+$0x10];
	v5 =	vadd.f32 v5, v4  }
0xee: {  	s3 =	sadd.s32 $0x20, s3;
	s4 =	sadd.s32 $0x20, s4;
	v11 =	vld [tilespmem:s6+$0x810];
	[tilespmem:s2+$0x10] =	vst v9  }
0xef: {  	p2 =	slt.u32 s4, $0x7E0;
	v6 =	vadd.f32 v3, v6;
	v4 =	vld [tilespmem:s3+$0x10];
	[tilespmem:s1+$0x10] =	vst v5  }
.Ltmp4:
0xf0: {  	v5 =	vld [tilespmem:s3+$0x810];
	(pc) =	sbr.rel @p2 .LBB2_9-.Ltmp4, $4  }
0xf1: {  	v3 =	vld [tilespmem:s6+$0x800];
	[tilespmem:s2+$0x0] =	vst v6;
	v8 =	vadd.f32 v8, v7;
	s2 =	smov.u32 s6  }
0xf2: {  	v6 =	vld [tilespmem:s6+$0x0]  }
0xf3: {  	v7 =	vld [tilespmem:s3+$0x0];
	[tilespmem:s1+$0x0] =	vst v8;
	s1 =	smov.u32 s3  }
0xf4: {  	s6 =	sadd.s32 $0x20, s6;
	v9 =	vadd.f32 v11, v10;
	v8 =	vld [tilespmem:s3+$0x800]  }
.LBB2_10:
0xf5: {  	_ = 	snop  }
0xf6: {  	s3 =	sadd.s32 @p1 $0x20, s3;
	s4 =	simm.s32 $0x8080  }
0xf7: {  	[tilespmem:s2+$0x10] =	vst v9;
	s4 =	smov.u32 @p1 s3;
	v3 =	vadd.f32 v3, v6  }
0xf8: {  	v6 =	vld [tilespmem:s4+$0x10]  }
0xf9: {  	v9 =	vld [tilespmem:s4+$0x810];
	[tilespmem:s2+$0x0] =	vst v3  }
0xfa: {  	v3 =	vld [tilespmem:s4+$0x0]  }
0xfb: {  	v10 =	vld [tilespmem:s4+$0x800];
	_ =	sdelay $0x1  }
0xfc: {  	v4 =	vadd.f32 @p1 v5, v4  }
0xfd: {  	v5 =	vadd.f32 @p1 v8, v7  }
0xfe: {  	[tilespmem:s1+$0x10] =	vst @p1 v4;
	v4 =	vadd.f32 v9, v6  }
0xff: {  	[tilespmem:s1+$0x0] =	vst @p1 v5;
	v3 =	vadd.f32 v10, v3  }
0x100: {  	[tilespmem:s4+$0x10] =	vst v4  }
0x101: {  	[tilespmem:s4+$0x0] =	vst v3  }
0x102: {  	v4 =	vld [tilespmem:s20+$0x10]  }
0x103: {  	p1 =	por $0x1, $0x1;
	v5 =	vld [tilespmem:s20+$0x410]  }
.Ltmp5:
0x104: {  	_ = 	snop;
	(pc) =	sbr.rel @!p1 .LBB2_11-.Ltmp5, $3  }
0x105: {  	_ =	sdelay $0x1  }
0x106: {  	v3 =	vld [tilespmem:s20+$0x400]  }
0x107: {  	v6 =	vld [tilespmem:s20+$0x0];
	v9 =	vadd.f32 v5, v4  }
0x108: {  	_ = 	snop  }
0x109: {  	v8 =	vld [tilespmem:s0+$0x10]  }
0x10a: {  	v10 =	vld [tilespmem:s0+$0x410];
	[tilespmem:s20+$0x10] =	vst v9  }
0x10b: {  	p1 =	por $0x1, $0x1;
	v4 =	vld [tilespmem:s19+$0x10]  }
.Ltmp6:
0x10c: {  	v5 =	vld [tilespmem:s19+$0x410];
	v6 =	vadd.f32 v3, v6;
	(pc) =	sbr.rel @!p1 .LBB2_13-.Ltmp6, $4  }
0x10d: {  	v3 =	vld [tilespmem:s0+$0x400]  }
0x10e: {  	[tilespmem:s20+$0x0] =	vst v6;
	v6 =	vld [tilespmem:s0+$0x0]  }
0x10f: {  	s3 =	simm.s32 $0x20;
	s4 =	simm.s32 $0x7040;
	v7 =	vld [tilespmem:s19+$0x0]  }
0x110: {  	p0 =	por $0x1, $0x1;
	s2 =	simm.s32 $0x8080;
	s1 =	simm.s32 $0x8080;
	v9 =	vadd.f32 v10, v8;
	v8 =	vld [tilespmem:s19+$0x400]  }
.LBB2_14:
0x111: {  	v10 =	vld [tilespmem:s4+$0x10];
	v5 =	vadd.f32 v5, v4  }
0x112: {  	s2 =	sadd.s32 $0x20, s2;
	s3 =	sadd.s32 $0x20, s3;
	v11 =	vld [tilespmem:s4+$0x410];
	[tilespmem:s0+$0x10] =	vst v9  }
0x113: {  	p1 =	slt.u32 s3, $0x3E0;
	v6 =	vadd.f32 v3, v6;
	v4 =	vld [tilespmem:s2+$0x10];
	[tilespmem:s1+$0x10] =	vst v5  }
.Ltmp7:
0x114: {  	v5 =	vld [tilespmem:s2+$0x410];
	(pc) =	sbr.rel @p1 .LBB2_14-.Ltmp7, $4  }
0x115: {  	v3 =	vld [tilespmem:s4+$0x400];
	[tilespmem:s0+$0x0] =	vst v6;
	v8 =	vadd.f32 v8, v7;
	s0 =	smov.u32 s4  }
0x116: {  	v6 =	vld [tilespmem:s4+$0x0]  }
0x117: {  	v7 =	vld [tilespmem:s2+$0x0];
	[tilespmem:s1+$0x0] =	vst v8;
	s1 =	smov.u32 s2  }
0x118: {  	s4 =	sadd.s32 $0x20, s4;
	v9 =	vadd.f32 v11, v10;
	v8 =	vld [tilespmem:s2+$0x400]  }
0x119: {  	s20 =	smov.u32 s0  }
.LBB2_16:
0x11a: {  	s0 =	sadd.s32 @p0 $0x20, s2  }
0x11b: {  	[tilespmem:s20+$0x10] =	vst v9;
	v3 =	vadd.f32 v3, v6;
	s19 =	smov.u32 @p0 s0  }
0x11c: {  	v6 =	vld [tilespmem:s19+$0x10]  }
0x11d: {  	v9 =	vld [tilespmem:s19+$0x410];
	[tilespmem:s20+$0x0] =	vst v3  }
0x11e: {  	v3 =	vld [tilespmem:s19+$0x0]  }
0x11f: {  	v10 =	vld [tilespmem:s19+$0x400];
	_ =	sdelay $0x1  }
0x120: {  	v4 =	vadd.f32 @p0 v5, v4  }
0x121: {  	v5 =	vadd.f32 @p0 v8, v7  }
0x122: {  	[tilespmem:s1+$0x10] =	vst @p0 v4;
	v4 =	vadd.f32 v9, v6  }
0x123: {  	[tilespmem:s1+$0x0] =	vst @p0 v5;
	v3 =	vadd.f32 v10, v3  }
0x124: {  	[tilespmem:s19+$0x10] =	vst v4  }
0x125: {  	s2 =	simm.s32 $0x7000;
	[tilespmem:s19+$0x0] =	vst v3  }
0x126: {  	v3 =	vld [tilespmem:s2+$0x10]  }
0x127: {  	v4 =	vld [tilespmem:s2+$0x210];
	_ =	sdelay $0x2  }
0x128: {  	v5 =	vld [tilespmem:s2+$0x200]  }
0x129: {  	v6 =	vld [tilespmem:s2+$0x0]  }
0x12a: {  	s0 =	simm.s32 $0x7020;
	v3 =	vadd.f32 v4, v3  }
0x12b: {  	v7 =	vld [tilespmem:s0+$0x10]  }
0x12c: {  	s1 =	simm.s32 $0x8080;
	v9 =	vld [tilespmem:s0+$0x210];
	[tilespmem:s2+$0x10] =	vst v3  }
0x12d: {  	v3 =	vld [tilespmem:s1+$0x10]  }
0x12e: {  	v4 =	vadd.f32 v5, v6;
	v5 =	vld [tilespmem:s1+$0x210]  }
0x12f: {  	v8 =	vld [tilespmem:s0+$0x0]  }
0x130: {  	v6 =	vld [tilespmem:s0+$0x200];
	[tilespmem:s2+$0x0] =	vst v4  }
0x131: {  	s4 =	simm.s32 $0x20;
	s7 =	simm.s32 $0x7040;
	v4 =	vld [tilespmem:s1+$0x0]  }
0x132: {  	s6 =	simm.s32 $0x7020;
	s8 =	simm.s32 $0x8080;
	s3 =	simm.s32 $0x8080;
	v9 =	vadd.f32 v9, v7;
	v7 =	vld [tilespmem:s1+$0x200]  }
.LBB2_17:
0x133: {  	v10 =	vld [tilespmem:s7+$0x10];
	v5 =	vadd.f32 v5, v3  }
0x134: {  	s8 =	sadd.s32 $0x20, s8;
	s4 =	sadd.s32 $0x20, s4;
	v11 =	vld [tilespmem:s7+$0x210];
	[tilespmem:s6+$0x10] =	vst v9  }
0x135: {  	p0 =	slt.u32 s4, $0x1E0;
	v8 =	vadd.f32 v6, v8;
	v3 =	vld [tilespmem:s8+$0x10];
	[tilespmem:s3+$0x10] =	vst v5  }
.Ltmp8:
0x136: {  	v5 =	vld [tilespmem:s8+$0x210];
	(pc) =	sbr.rel @p0 .LBB2_17-.Ltmp8, $4  }
0x137: {  	v6 =	vld [tilespmem:s7+$0x200];
	[tilespmem:s6+$0x0] =	vst v8;
	v7 =	vadd.f32 v7, v4;
	s6 =	smov.u32 s7  }
0x138: {  	v8 =	vld [tilespmem:s7+$0x0]  }
0x139: {  	v4 =	vld [tilespmem:s8+$0x0];
	[tilespmem:s3+$0x0] =	vst v7;
	s3 =	smov.u32 s8  }
0x13a: {  	s7 =	sadd.s32 $0x20, s7;
	v9 =	vadd.f32 v11, v10;
	v7 =	vld [tilespmem:s8+$0x200]  }
0x13b: {  	_ =	sdelay $0x1  }
0x13c: {  	s4 =	sadd.s32 $0x20, s8;
	[tilespmem:s6+$0x10] =	vst v9;
	v6 =	vadd.f32 v6, v8  }
0x13d: {  	v8 =	vld [tilespmem:s4+$0x10]  }
0x13e: {  	v9 =	vld [tilespmem:s4+$0x210];
	[tilespmem:s6+$0x0] =	vst v6  }
0x13f: {  	v6 =	vld [tilespmem:s4+$0x0]  }
0x140: {  	v10 =	vld [tilespmem:s4+$0x200];
	_ =	sdelay $0x1  }
0x141: {  	v3 =	vadd.f32 v5, v3  }
0x142: {  	v4 =	vadd.f32 v7, v4  }
0x143: {  	[tilespmem:s3+$0x10] =	vst v3;
	v3 =	vadd.f32 v9, v8  }
0x144: {  	[tilespmem:s3+$0x0] =	vst v4;
	v4 =	vadd.f32 v10, v6  }
0x145: {  	[tilespmem:s4+$0x10] =	vst v3  }
0x146: {  	[tilespmem:s4+$0x0] =	vst v4  }
0x147: {  	v3 =	vld [tilespmem:s2+$0x10]  }
0x148: {  	v4 =	vld [tilespmem:s2+$0x110];
	_ =	sdelay $0x2  }
0x149: {  	v5 =	vld [tilespmem:s2+$0x100]  }
0x14a: {  	v6 =	vld [tilespmem:s2+$0x0]  }
0x14b: {  	v3 =	vadd.f32 v4, v3  }
0x14c: {  	v7 =	vld [tilespmem:s0+$0x10]  }
0x14d: {  	v9 =	vld [tilespmem:s0+$0x110];
	[tilespmem:s2+$0x10] =	vst v3  }
0x14e: {  	v3 =	vld [tilespmem:s1+$0x10]  }
0x14f: {  	v4 =	vadd.f32 v5, v6;
	v5 =	vld [tilespmem:s1+$0x110]  }
0x150: {  	v8 =	vld [tilespmem:s0+$0x0]  }
0x151: {  	v6 =	vld [tilespmem:s0+$0x100];
	[tilespmem:s2+$0x0] =	vst v4  }
0x152: {  	v4 =	vld [tilespmem:s1+$0x0]  }
0x153: {  	s3 =	simm.s32 $0x20;
	s4 =	simm.s32 $0x7040;
	v9 =	vadd.f32 v9, v7;
	s2 =	simm.s32 $0x8080;
	v7 =	vld [tilespmem:s1+$0x100]  }
.LBB2_19:
0x154: {  	v10 =	vld [tilespmem:s4+$0x10];
	v5 =	vadd.f32 v5, v3  }
0x155: {  	s1 =	sadd.s32 $0x20, s1;
	s3 =	sadd.s32 $0x20, s3;
	v11 =	vld [tilespmem:s4+$0x110];
	[tilespmem:s0+$0x10] =	vst v9  }
0x156: {  	p0 =	slt.u32 s3, $0xE0;
	v8 =	vadd.f32 v6, v8;
	v3 =	vld [tilespmem:s1+$0x10];
	[tilespmem:s2+$0x10] =	vst v5  }
.Ltmp9:
0x157: {  	v5 =	vld [tilespmem:s1+$0x110];
	(pc) =	sbr.rel @p0 .LBB2_19-.Ltmp9, $4  }
0x158: {  	v6 =	vld [tilespmem:s4+$0x100];
	[tilespmem:s0+$0x0] =	vst v8;
	v7 =	vadd.f32 v7, v4;
	s0 =	smov.u32 s4  }
0x159: {  	v8 =	vld [tilespmem:s4+$0x0]  }
0x15a: {  	v4 =	vld [tilespmem:s1+$0x0];
	[tilespmem:s2+$0x0] =	vst v7;
	s2 =	smov.u32 s1  }
0x15b: {  	s4 =	sadd.s32 $0x20, s4;
	v9 =	vadd.f32 v11, v10;
	v7 =	vld [tilespmem:s1+$0x100]  }
0x15c: {  	_ =	sdelay $0x1  }
0x15d: {  	s1 =	sadd.s32 $0x20, s1;
	[tilespmem:s0+$0x10] =	vst v9;
	v6 =	vadd.f32 v6, v8  }
0x15e: {  	v62 =	vld [tilespmem:s1+$0x10]  }
0x15f: {  	v9 =	vld [tilespmem:s1+$0x110];
	[tilespmem:s0+$0x0] =	vst v6  }
0x160: {  	v6 =	vld [tilespmem:s1+$0x0]  }
0x161: {  	v10 =	vld [tilespmem:s1+$0x100];
	_ =	sdelay $0x1  }
0x162: {  	v3 =	vadd.f32 v5, v3  }
0x163: {  	v4 =	vadd.f32 v7, v4  }
0x164: {  	[tilespmem:s2+$0x10] =	vst v3;
	v3 =	vadd.f32 v9, v62  }
0x165: {  	[tilespmem:s2+$0x0] =	vst v4;
	v63 =	vadd.f32 v10, v6  }
0x166: {  	[tilespmem:s1+$0x10] =	vst v3  }
0x167: {  	s26 =	simm.s32 $0x80;
	[tilespmem:s1+$0x0] =	vst v63  }
0x168: {  	s28 =	simm.s32 $0x400;
	s3 =	simm.s32 $0x7000;
	s0 =	rddreg [dreg:$0x6]  }
0x169: {  	[hbm4b:s0+s26] =	stream.strided.scatter [tilespmem:s3], [sflag:$0x3], $0x100, s28, s26, $0x38;
	[tilespmem:$0x9100] =	vst v63  }
0x16a: {  	_ =	swait.ge [sflag:s15], $0x100  }
0x16b: {  	[sflag:s15] =	ssyncset.done $0x0  }
0x16c: {  	s30 =	simm.s32 $0x8080;
	s29 =	rddreg [dreg:$0x7];
	[sflag:s15] =	ssyncadd.s32 $0xFFFFFF00  }
0x16d: {  	[hbm4b:s29+s26] =	stream.strided.scatter [tilespmem:s30], [sflag:$0x3], $0x100, s28, s26, $0x38;
	[tilespmem:$0x9100] =	vst v63  }
0x16e: {  	_ =	swait.ge [sflag:s15], $0x100  }
0x16f: {  	s17 =	sadd.s32 $0x1, s17;
	s31 =	rddreg [dreg:$0x8]  }
0x170: {  	p0 =	sne.s32 s17, s31  }
.Ltmp10:
0x171: {  	_ = 	snop;
	(pc) =	sbr.rel @p0 .LBB2_1-.Ltmp10, $4  }
.Ltmp11:
0x172: {  	_ = 	snop;
	(pc) =	sbr.rel @!p0 .LBB2_21-.Ltmp11, $4  }
0x173: {  	_ = 	snop  }
0x174: {  	[sflag:s15] =	ssyncset.done $0x0  }
0x175: {  	[sflag:s15] =	ssyncadd.s32 $0xFFFFFF00  }
0x176: {  	_ = 	snop  }
.LBB2_6:
.Ltmp12:
0x177: {  	(pc) =	sbr.rel .LBB2_10-.Ltmp12, $2  }
0x178: {  	_ =	sdelay $0x2  }
0x179: {  	s2 =	simm.s32 $0x7000;
	s3 =	simm.s32 $0x8080;
	p1 =	por $0x0, $0x0  }
.LBB2_11:
.Ltmp13:
0x17a: {  	(pc) =	sbr.rel .LBB2_16-.Ltmp13, $2  }
0x17b: {  	_ =	sdelay $0x2  }
0x17c: {  	s2 =	simm.s32 $0x8080  }
.LBB2_8:
.Ltmp14:
0x17d: {  	(pc) =	sbr.rel .LBB2_10-.Ltmp14, $2  }
0x17e: {  	_ =	sdelay $0x2  }
0x17f: {  	s2 =	simm.s32 $0x7020;
	s3 =	simm.s32 $0x8080;
	s1 =	simm.s32 $0x8080  }
.LBB2_13:
.Ltmp15:
0x180: {  	(pc) =	sbr.rel .LBB2_16-.Ltmp15, $2  }
0x181: {  	_ =	sdelay $0x2  }
0x182: {  	s20 =	simm.s32 $0x7020;
	s2 =	simm.s32 $0x8080;
	s1 =	simm.s32 $0x8080  }
.LBB2_21:
0x183: {  	_ =	sfence.sel $0x180000  }
0x184: {  	[bflag:$0x0] =	sbarrier.arrive $0xFFFF  }
0x185: {  	_ =	strace $0x90000047  }
0x186: {  	s0 =	stileid.u32;
	[bflag:$0x2] =	sbarrier.arrive $0xFFFF  }
0x187: {  	p0 =	sne.s32 s0, $0x0;
	s0 =	rddreg [dreg:$0x3]  }
0x188: {  	s0 =	sadd.s32 @!p0 $0x100000, s0  }
0x189: {  	[sflag:s0] =	ssyncadd.tile.s32 @!p0 $0x1;
	_ =	shalt  }
.Lfunc_end2:
_tile_overlayer_lowered:
.L_overlay_start_2:
0x18a: {  	(tag) =	ssettag $0x2  }
0x18b: {  	s0 =	rddreg [dreg:$0x0];
	s2 =	stileid.u32  }
0x18c: {  	s1 =	rddreg [dreg:$0x1];
	p0 =	sne.s32 s2, $0x0  }
0x18d: {  	s3 =	rddreg [dreg:$0x2];
	[bflag:$0x3] =	sbarrier.arrive $0xFFFF;
	s2 =	simm.s32 @!p0 $0x1C03  }
0x18e: {  	[timem:s3], [sflag:s2] =	dma.local @!p0 [hbm:s0], s1  }
0x18f: {  	s0 =	simm.s32 @!p0 $0x3  }
0x190: {  	_ =	swait.ge @!p0 [sflag:s0], s1  }
0x191: {  	s1 =	ssub.s32 @!p0 $0x0, s1;
	[sflag:s0] =	ssyncset.done @!p0 $0x0  }
0x192: {  	[sflag:s0] =	ssyncadd.s32 @!p0 s1  }
0x193: {  	[bflag:$0x3] =	sbarrier.arrive $0xFFFF  }
0x194: {  	_ =	shalt  }

</sc_bundles>
